<compile_context>
chip_gen: v7x
topology: tpu7x:2x2x1
jax: 0.10.2.dev20260603
libtpu: 0.0.44.dev20260713+nightly
codegen_flags: <defaults>
</compile_context>

<pallas_src>
import functools

import jax
import jax.numpy as jnp
from jax import lax
from jax.experimental import pallas as pl
from jax.experimental.pallas import tpu as pltpu
from jax.experimental.pallas import tpu_sc as plsc

N = 10000
E = 160000
D = 256
C = 8
G = 16
GC = G * C


_BN = 2000
_GRID = N // _BN


def _tc1_body(x_ref, b_ref, ws1_ref, ws2_ref, wbc_ref, t_ref,
              m_ref, num_ref, den_ref, mx_ref):
    i = pl.program_id(0)
    f32 = jnp.float32
    bf16 = jnp.bfloat16
    x16 = x_ref[...].astype(bf16)
    h = jnp.maximum(jnp.dot(x16, ws1_ref[...], preferred_element_type=f32), 0.0)
    sc = jnp.dot(h.astype(bf16), ws2_ref[...], preferred_element_type=f32)
    lane = lax.broadcasted_iota(jnp.int32, sc.shape, 1)
    scm = jnp.where(lane < C, sc, jnp.float32(-1e30))
    scm = scm - jnp.max(scm, axis=1, keepdims=True)
    e = jnp.exp(scm)
    sm = e / jnp.sum(e, axis=1, keepdims=True)
    m_tiled = jnp.dot(sm.astype(bf16), t_ref[...], preferred_element_type=f32)
    oh_rep = (b_ref[...] == (lane // C)).astype(f32)
    M16 = (oh_rep * m_tiled).astype(bf16)
    m_ref[...] = M16

    h2 = jnp.dot(x16, wbc_ref[...], preferred_element_type=f32)
    dn = (((0,), (0,)), ((), ()))
    num_p = lax.dot_general(M16, h2.astype(bf16), dn, preferred_element_type=f32)
    den_p = lax.dot_general(M16, jnp.ones_like(h2, bf16), dn,
                            preferred_element_type=f32)
    mx_p = lax.dot_general(M16, x16, dn, preferred_element_type=f32)

    @pl.when(i == 0)
    def _():
        num_ref[...] = num_p
        den_ref[...] = den_p
        mx_ref[...] = mx_p

    @pl.when(i > 0)
    def _():
        num_ref[...] += num_p
        den_ref[...] += den_p
        mx_ref[...] += mx_p


def _tc1(x, batch_col, W_s1, W_s2p, W_bc, T):
    f32 = jnp.float32
    return pl.pallas_call(
        _tc1_body,
        grid=(_GRID,),
        in_specs=[
            pl.BlockSpec((_BN, D), lambda i: (i, 0)),
            pl.BlockSpec((_BN, 1), lambda i: (i, 0)),
            pl.BlockSpec((D, D), lambda i: (0, 0)),
            pl.BlockSpec((D, GC), lambda i: (0, 0)),
            pl.BlockSpec((D, D), lambda i: (0, 0)),
            pl.BlockSpec((GC, GC), lambda i: (0, 0)),
        ],
        out_specs=[
            pl.BlockSpec((_BN, GC), lambda i: (i, 0)),
            pl.BlockSpec((GC, D), lambda i: (0, 0)),
            pl.BlockSpec((GC, D), lambda i: (0, 0)),
            pl.BlockSpec((GC, D), lambda i: (0, 0)),
        ],
        out_shape=[
            jax.ShapeDtypeStruct((N, GC), jnp.bfloat16),
            jax.ShapeDtypeStruct((GC, D), f32),
            jax.ShapeDtypeStruct((GC, D), f32),
            jax.ShapeDtypeStruct((GC, D), f32),
        ],
    )(x, batch_col, W_s1, W_s2p, W_bc, T)



_DH = 128
_CHUNK = 128
_NCHUNK = 79
_EPT = _CHUNK * _NCHUNK
_EPAD = 16 * _EPT
_RPT = 632
_NPAD = 16 * _RPT


def _sc_body(xcat_hbm, src_hbm, dst_hbm, zeros_hbm, out_hbm,
             src_v, dst_v, rows_v, acc_sh, sem):
    c = lax.axis_index("c")
    s = lax.axis_index("s")
    pltpu.sync_copy(zeros_hbm, acc_sh.at[pl.ds(s * _RPT, _RPT)])
    pltpu.sync_copy(src_hbm.at[c, s], src_v)
    pltpu.sync_copy(dst_hbm.at[s], dst_v)
    plsc.subcore_barrier()

    def body(j, carry):
        pltpu.async_copy(xcat_hbm.at[src_v.at[j]], rows_v, sem).wait()
        pltpu.sync_copy(rows_v, acc_sh.at[dst_v.at[j]], add=True)
        return carry

    lax.fori_loop(0, _NCHUNK, body, 0)
    plsc.subcore_barrier()
    pltpu.sync_copy(acc_sh.at[pl.ds(s * _RPT, _RPT)],
                    out_hbm.at[pl.ds(c * _NPAD + s * _RPT, _RPT)])


def _sc_segment_sum(x, edge_index):
    f32 = jnp.float32
    i32 = jnp.int32
    src = edge_index[0].astype(i32)
    dst = edge_index[1].astype(i32)
    pad = _EPAD - E
    srcp = jnp.concatenate([src, jnp.full((pad,), N, i32)])
    dstp = jnp.concatenate([dst, jnp.arange(pad, dtype=i32) % N])
    src3 = srcp.reshape(16, _NCHUNK, _CHUNK)
    src_pair = jnp.stack([src3, src3 + (N + 1)])
    dst3 = dstp.reshape(16, _NCHUNK, _CHUNK)
    xz = jnp.concatenate([x, jnp.zeros((1, D), f32)], axis=0)
    xcat = jnp.concatenate([xz[:, :_DH], xz[:, _DH:]], axis=0)
    zeros_blk = jnp.zeros((_RPT, _DH), f32)

    mesh = plsc.VectorSubcoreMesh(core_axis_name="c", subcore_axis_name="s")
    run = functools.partial(
        pl.kernel,
        mesh=mesh,
        out_type=jax.ShapeDtypeStruct((2 * _NPAD, _DH), f32),
        scratch_types=[
            pltpu.VMEM((_NCHUNK, _CHUNK), i32),
            pltpu.VMEM((_NCHUNK, _CHUNK), i32),
            pltpu.VMEM((_CHUNK, _DH), f32),
            pltpu.VMEM_SHARED((_NPAD, _DH), f32),
            pltpu.SemaphoreType.DMA,
        ],
    )(_sc_body)
    return run(xcat, src_pair, dst3, zeros_blk)




def _tc2_body(m_ref, b_ref, alo_ref, ahi_ref, num_ref, den_ref, mx_ref,
              wbb_ref, wc2b_ref, wb2c_ref, wcc_ref, wp_ref, s_ref, p_ref,
              out_ref, cflat_s, cemb_s, bp_s, cnt_s):
    i = pl.program_id(0)
    f32 = jnp.float32
    bf16 = jnp.bfloat16

    @pl.when(i == 0)
    def _():
        cflat = num_ref[...] / (den_ref[...] + 1e-6)
        cflat_s[...] = cflat.astype(bf16)
        b2c = jnp.dot(mx_ref[...].astype(bf16), wb2c_ref[...],
                      preferred_element_type=f32)
        c2c = jnp.dot(jnp.dot(s_ref[...], cflat.astype(bf16),
                              preferred_element_type=f32).astype(bf16),
                      wcc_ref[...], preferred_element_type=f32)
        cemb_s[...] = jnp.maximum(b2c + c2c, 0.0).astype(bf16)
        bp_s[...] = jnp.zeros_like(bp_s)
        cnt_s[...] = jnp.zeros_like(cnt_s)

    Mb = m_ref[...]
    c2b = jnp.dot(jnp.dot(Mb, cflat_s[...], preferred_element_type=f32).astype(bf16),
                  wc2b_ref[...], preferred_element_type=f32)
    wbb = wbb_ref[...]
    agg_wbb = (jnp.dot(alo_ref[0].astype(bf16), wbb[:_DH, :],
                       preferred_element_type=f32)
               + jnp.dot(ahi_ref[0].astype(bf16), wbb[_DH:, :],
                         preferred_element_type=f32))
    base_emb = jnp.maximum(agg_wbb + c2b, 0.0)

    lane16 = lax.broadcasted_iota(jnp.int32, (_BN, G), 1)
    oh = (b_ref[...] == lane16).astype(bf16)
    dn = (((0,), (0,)), ((), ()))
    bp_s[...] += lax.dot_general(oh, base_emb.astype(bf16), dn,
                                 preferred_element_type=f32)
    cnt_s[...] += lax.dot_general(oh, jnp.ones_like(base_emb, bf16), dn,
                                  preferred_element_type=f32)

    @pl.when(i == _GRID - 1)
    def _():
        base_pool = bp_s[...] / (cnt_s[...] + 1e-6)
        cent_pool = jnp.dot(p_ref[...], cemb_s[...], preferred_element_type=f32)
        wp = wp_ref[...]
        out_ref[...] = (jnp.dot(base_pool.astype(bf16), wp[:D, :],
                                preferred_element_type=f32)
                        + jnp.dot(cent_pool.astype(bf16), wp[D:, :],
                                  preferred_element_type=f32))


def _tc2(M, batch_col, agg_pair, num, den, mx,
         W_bb, W_c2b, W_b2c, W_cc, W_pred, S, P):
    f32 = jnp.float32
    return pl.pallas_call(
        _tc2_body,
        grid=(_GRID,),
        in_specs=[
            pl.BlockSpec((_BN, GC), lambda i: (i, 0)),
            pl.BlockSpec((_BN, 1), lambda i: (i, 0)),
            pl.BlockSpec((1, _BN, _DH), lambda i: (0, i, 0)),
            pl.BlockSpec((1, _BN, _DH), lambda i: (1, i, 0)),
            pl.BlockSpec((GC, D), lambda i: (0, 0)),
            pl.BlockSpec((GC, D), lambda i: (0, 0)),
            pl.BlockSpec((GC, D), lambda i: (0, 0)),
            pl.BlockSpec((D, D), lambda i: (0, 0)),
            pl.BlockSpec((D, D), lambda i: (0, 0)),
            pl.BlockSpec((D, D), lambda i: (0, 0)),
            pl.BlockSpec((D, D), lambda i: (0, 0)),
            pl.BlockSpec((2 * D, GC), lambda i: (0, 0)),
            pl.BlockSpec((GC, GC), lambda i: (0, 0)),
            pl.BlockSpec((G, GC), lambda i: (0, 0)),
        ],
        out_specs=pl.BlockSpec((G, GC), lambda i: (0, 0)),
        out_shape=jax.ShapeDtypeStruct((G, GC), f32),
        scratch_shapes=[
            pltpu.VMEM((GC, D), jnp.bfloat16),
            pltpu.VMEM((GC, D), jnp.bfloat16),
            pltpu.VMEM((G, D), f32),
            pltpu.VMEM((G, D), f32),
        ],
    )(M, batch_col, agg_pair, agg_pair, num, den, mx,
      W_bb, W_c2b, W_b2c, W_cc, W_pred, S, P)


def kernel(x, edge_index, batch, W_s1, W_s2, W_bc, W_bb, W_b2c, W_c2b, W_cc, W_pred):
    f32 = jnp.float32
    bf16 = jnp.bfloat16
    batch_col = batch.astype(jnp.int32).reshape(N, 1)
    W_s2p = jnp.pad(W_s2, ((0, 0), (0, GC - C))).astype(bf16)
    j = jnp.arange(GC)
    T = (j[:, None] == (j[None, :] % C)).astype(bf16)
    S = ((j[:, None] // C == j[None, :] // C).astype(f32)
         - jnp.eye(GC, dtype=f32)).astype(bf16)
    P = ((jnp.arange(G)[:, None] == (j[None, :] // C)).astype(f32)
         / C).astype(bf16)

    agg = _sc_segment_sum(x, edge_index)
    agg_pair = jnp.stack([agg[:N], agg[_NPAD:_NPAD + N]])
    M, num, den, mx = _tc1(x, batch_col, W_s1.astype(bf16), W_s2p,
                           W_bc.astype(bf16), T)
    return _tc2(M, batch_col, agg_pair, num, den, mx,
                W_bb.astype(bf16), W_c2b.astype(bf16), W_b2c.astype(bf16),
                W_cc.astype(bf16), W_pred.astype(bf16), S, P)

# --- scband reference (transcript-rebuilt; emitter-appended) ---
"""Pipeline reference for scband-hybrid-model-12902081757358 (READ-ONLY COPY).

The authoritative reference and input builder live on the scoring server;
editing this copy changes nothing except your own understanding.
"""

import jax, jax.numpy as jnp
import numpy as np

N = 10000
E = 160000
D = 256
C = 8
G = 16

def setup_inputs(seed: int = 0) -> dict:
    key = jax.random.key(seed)
    ks = jax.random.split(key, 12)
    s = 1.0 / np.sqrt(D)
    x = jax.random.normal(ks[0], (N, D), dtype=jnp.float32)
    edge_index = jax.random.randint(ks[1], (2, E), 0, N)
    batch = jnp.sort(jax.random.randint(ks[2], (N,), 0, G))
    W_s1 = jax.random.normal(ks[3], (D, D), dtype=jnp.float32) * s
    W_s2 = jax.random.normal(ks[4], (D, C), dtype=jnp.float32) * s
    W_bc = jax.random.normal(ks[5], (D, D), dtype=jnp.float32) * s
    W_bb = jax.random.normal(ks[6], (D, D), dtype=jnp.float32) * s
    W_b2c = jax.random.normal(ks[7], (D, D), dtype=jnp.float32) * s
    W_c2b = jax.random.normal(ks[8], (D, D), dtype=jnp.float32) * s
    W_cc = jax.random.normal(ks[9], (D, D), dtype=jnp.float32) * s
    W_pred = jax.random.normal(ks[10], (2 * D, 128), dtype=jnp.float32) * (1.0 / np.sqrt(2 * D))
    return {"x": x, "edge_index": edge_index, "batch": batch, "W_s1": W_s1, "W_s2": W_s2,
            "W_bc": W_bc, "W_bb": W_bb, "W_b2c": W_b2c, "W_c2b": W_c2b, "W_cc": W_cc, "W_pred": W_pred}

def reference(x, edge_index, batch, W_s1, W_s2, W_bc, W_bb, W_b2c, W_c2b, W_cc, W_pred):
    src, dst = edge_index[0], edge_index[1]
    # scorer_model: score each node against each centroid slot
    h = jax.nn.relu(x @ W_s1)
    scores = h @ W_s2  # [N, C] (n_ensemble=1, list_num_centroids=[C] so no -LARGE_NUMBER masking branch)
    # sampler (gumbel-softmax relaxation / validation soft assignment): node_mask [N, C]
    node_mask = jax.nn.softmax(scores, axis=1)
    mask = node_mask.T  # [C, N]  (repeats = n_samples*n_ensemble = 1)
    onehot = jax.nn.one_hot(batch, G, dtype=x.dtype)  # [N, G]
    # base2centroid_model: weighted mean of transformed base features per (graph, centroid)
    h2 = x @ W_bc
    num = jnp.einsum('cn,ng,nd->gcd', mask, onehot, h2)
    den = jnp.einsum('cn,ng->gc', mask, onehot)[..., None]
    centroid_x = num / (den + 1e-6)  # [G, C, D]
    # hetero_gnn: base<->base, base->centroid, centroid->base, centroid->centroid
    agg_bb = jax.ops.segment_sum(x[src], dst, num_segments=N)  # base__to__base
    cnode = centroid_x[batch]  # [N, C, D] centroid__to__base gather
    c2b = jnp.einsum('cn,ncd->nd', mask, cnode)  # edge_weight = node_mask
    base_emb = jax.nn.relu(agg_bb @ W_bb + c2b @ W_c2b)  # [N, D]
    b2c = jnp.einsum('cn,ng,nd->gcd', mask, onehot, x) @ W_b2c  # base__to__centroid
    c2c = (jnp.sum(centroid_x, axis=1, keepdims=True) - centroid_x) @ W_cc  # fully-connected centroids (no self-loop)
    centroid_emb = jax.nn.relu(b2c + c2c)  # [G, C, D]
    # pred_head: pool base nodes per graph (graph_pool_idx=batch) + pool centroids per graph, then project
    cnt = jax.ops.segment_sum(jnp.ones((N, 1), x.dtype), batch, num_segments=G)
    base_pool = jax.ops.segment_sum(base_emb, batch, num_segments=G) / (cnt + 1e-6)
    cent_pool = jnp.mean(centroid_emb, axis=1)
    graph_embedding = jnp.concatenate([base_pool, cent_pool], axis=-1) @ W_pred  # [G, 128]
    return graph_embedding

if __name__ == "__main__":
    import jax
    _d = setup_inputs()
    print(jax.jit(kernel)(*tuple(_d.values())))

</pallas_src>

<mosaic_0001>
#map = affine_map<(d0, d1) -> (0, 0)>
#map1 = affine_map<(d0, d1) -> (0, 0, 0, 0)>
#map2 = affine_map<(d0, d1) -> (0, 0, 0)>
module attributes {stable_mosaic.version = 14 : i64} {
  func.func @_sc_body(%arg0: i32, %arg1: i32, %arg2: memref<20002x128xf32, #tpu.memory_space<hbm>>, %arg3: memref<2x16x79x128xi32, #tpu.memory_space<hbm>>, %arg4: memref<16x79x128xi32, #tpu.memory_space<hbm>>, %arg5: memref<632x128xf32, #tpu.memory_space<hbm>>, %arg6: memref<20224x128xf32, #tpu.memory_space<hbm>>, %arg7: memref<79x128xi32, #tpu.memory_space<vmem>>, %arg8: memref<79x128xi32, #tpu.memory_space<vmem>>, %arg9: memref<128x128xf32, #tpu.memory_space<vmem>>, %arg10: memref<10112x128xf32, #tpu.memory_space<vmem_shared>>, %arg11: memref<!tpu.dma_semaphore, #tpu.memory_space<semaphore_mem>>) attributes {dimension_semantics = [#tpu.dimension_semantics<core_parallel>, #tpu.dimension_semantics<subcore_parallel>], iteration_bounds = array<i64: 2, 16>, scalar_prefetch = 0 : i64, scratch_operands = 5 : i64, tpu.core_type = #tpu.core_type<sc_vector_subcore>, window_params = [{transform_indices = #map}, {transform_indices = #map1}, {transform_indices = #map2}, {transform_indices = #map}, {transform_indices = #map}]} {
    %mul3A = arith.constant 632 : i32
    %mul3A_0 = arith.muli %arg1, %mul3A : i32
    "tpu.region"() ({
      %run_scoped3A = tpu.sem_alloc : memref<!tpu.dma_semaphore, #tpu.memory_space<semaphore_mem>>
      %dma_start3A = arith.constant 0 : i32
      %dma_start3A_13 = tpu.memref_slice %arg10[%mul3A_0, %dma_start3A] : memref<10112x128xf32, #tpu.memory_space<vmem_shared>> -> memref<632x128xf32, #tpu.memory_space<vmem_shared>>
      tpu.enqueue_dma source(%arg5 : memref<632x128xf32, #tpu.memory_space<hbm>>) target(%dma_start3A_13 : memref<632x128xf32, #tpu.memory_space<vmem_shared>>) target_semaphore(%run_scoped3A : memref<!tpu.dma_semaphore, #tpu.memory_space<semaphore_mem>>)
      %dma_wait3A = arith.constant 0 : i32
      %dma_wait3A_14 = tpu.memref_slice %arg10[%mul3A_0, %dma_wait3A] : memref<10112x128xf32, #tpu.memory_space<vmem_shared>> -> memref<632x128xf32, #tpu.memory_space<vmem_shared>>
      tpu.wait_dma2 semaphore(%run_scoped3A : memref<!tpu.dma_semaphore, #tpu.memory_space<semaphore_mem>>) src(%arg5 : memref<632x128xf32, #tpu.memory_space<hbm>>) dst(%dma_wait3A_14 : memref<632x128xf32, #tpu.memory_space<vmem_shared>>)
      tpu.yield
    }) : () -> ()
    "tpu.region"() ({
      %run_scoped3A = tpu.sem_alloc : memref<!tpu.dma_semaphore, #tpu.memory_space<semaphore_mem>>
      %dma_start3A = arith.constant 0 : i32
      %dma_start3A_13 = arith.constant 0 : i32
      %dma_start3A_14 = tpu.memref_slice %arg3[%arg0, %arg1, %dma_start3A, %dma_start3A_13] : memref<2x16x79x128xi32, #tpu.memory_space<hbm>> -> memref<1x1x79x128xi32, #tpu.memory_space<hbm>>
      %dma_start3A_15 = tpu.memref_squeeze %dma_start3A_14 : memref<1x1x79x128xi32, #tpu.memory_space<hbm>> -> memref<79x128xi32, #tpu.memory_space<hbm>>
      %dma_start3A_16 = arith.constant 0 : i32
      %dma_start3A_17 = arith.constant 0 : i32
      %dma_start3A_18 = tpu.memref_slice %arg3[%arg0, %arg1, %dma_start3A_16, %dma_start3A_17] : memref<2x16x79x128xi32, #tpu.memory_space<hbm>> -> memref<1x1x79x128xi32, #tpu.memory_space<hbm>>
      %dma_start3A_19 = tpu.memref_squeeze %dma_start3A_18 : memref<1x1x79x128xi32, #tpu.memory_space<hbm>> -> memref<79x128xi32, #tpu.memory_space<hbm>>
      tpu.enqueue_dma source(%dma_start3A_19 : memref<79x128xi32, #tpu.memory_space<hbm>>) target(%arg7 : memref<79x128xi32, #tpu.memory_space<vmem>>) target_semaphore(%run_scoped3A : memref<!tpu.dma_semaphore, #tpu.memory_space<semaphore_mem>>)
      %dma_wait3A = arith.constant 0 : i32
      %dma_wait3A_20 = arith.constant 0 : i32
      %dma_wait3A_21 = tpu.memref_slice %arg3[%arg0, %arg1, %dma_wait3A, %dma_wait3A_20] : memref<2x16x79x128xi32, #tpu.memory_space<hbm>> -> memref<1x1x79x128xi32, #tpu.memory_space<hbm>>
      %dma_wait3A_22 = tpu.memref_squeeze %dma_wait3A_21 : memref<1x1x79x128xi32, #tpu.memory_space<hbm>> -> memref<79x128xi32, #tpu.memory_space<hbm>>
      %dma_wait3A_23 = arith.constant 0 : i32
      %dma_wait3A_24 = arith.constant 0 : i32
      %dma_wait3A_25 = tpu.memref_slice %arg3[%arg0, %arg1, %dma_wait3A_23, %dma_wait3A_24] : memref<2x16x79x128xi32, #tpu.memory_space<hbm>> -> memref<1x1x79x128xi32, #tpu.memory_space<hbm>>
      %dma_wait3A_26 = tpu.memref_squeeze %dma_wait3A_25 : memref<1x1x79x128xi32, #tpu.memory_space<hbm>> -> memref<79x128xi32, #tpu.memory_space<hbm>>
      tpu.wait_dma2 semaphore(%run_scoped3A : memref<!tpu.dma_semaphore, #tpu.memory_space<semaphore_mem>>) src(%dma_wait3A_26 : memref<79x128xi32, #tpu.memory_space<hbm>>) dst(%arg7 : memref<79x128xi32, #tpu.memory_space<vmem>>)
      tpu.yield
    }) : () -> ()
    "tpu.region"() ({
      %run_scoped3A = tpu.sem_alloc : memref<!tpu.dma_semaphore, #tpu.memory_space<semaphore_mem>>
      %dma_start3A = arith.constant 0 : i32
      %dma_start3A_13 = arith.constant 0 : i32
      %dma_start3A_14 = tpu.memref_slice %arg4[%arg1, %dma_start3A, %dma_start3A_13] : memref<16x79x128xi32, #tpu.memory_space<hbm>> -> memref<1x79x128xi32, #tpu.memory_space<hbm>>
      %dma_start3A_15 = tpu.memref_squeeze %dma_start3A_14 : memref<1x79x128xi32, #tpu.memory_space<hbm>> -> memref<79x128xi32, #tpu.memory_space<hbm>>
      %dma_start3A_16 = arith.constant 0 : i32
      %dma_start3A_17 = arith.constant 0 : i32
      %dma_start3A_18 = tpu.memref_slice %arg4[%arg1, %dma_start3A_16, %dma_start3A_17] : memref<16x79x128xi32, #tpu.memory_space<hbm>> -> memref<1x79x128xi32, #tpu.memory_space<hbm>>
      %dma_start3A_19 = tpu.memref_squeeze %dma_start3A_18 : memref<1x79x128xi32, #tpu.memory_space<hbm>> -> memref<79x128xi32, #tpu.memory_space<hbm>>
      tpu.enqueue_dma source(%dma_start3A_19 : memref<79x128xi32, #tpu.memory_space<hbm>>) target(%arg8 : memref<79x128xi32, #tpu.memory_space<vmem>>) target_semaphore(%run_scoped3A : memref<!tpu.dma_semaphore, #tpu.memory_space<semaphore_mem>>)
      %dma_wait3A = arith.constant 0 : i32
      %dma_wait3A_20 = arith.constant 0 : i32
      %dma_wait3A_21 = tpu.memref_slice %arg4[%arg1, %dma_wait3A, %dma_wait3A_20] : memref<16x79x128xi32, #tpu.memory_space<hbm>> -> memref<1x79x128xi32, #tpu.memory_space<hbm>>
      %dma_wait3A_22 = tpu.memref_squeeze %dma_wait3A_21 : memref<1x79x128xi32, #tpu.memory_space<hbm>> -> memref<79x128xi32, #tpu.memory_space<hbm>>
      %dma_wait3A_23 = arith.constant 0 : i32
      %dma_wait3A_24 = arith.constant 0 : i32
      %dma_wait3A_25 = tpu.memref_slice %arg4[%arg1, %dma_wait3A_23, %dma_wait3A_24] : memref<16x79x128xi32, #tpu.memory_space<hbm>> -> memref<1x79x128xi32, #tpu.memory_space<hbm>>
      %dma_wait3A_26 = tpu.memref_squeeze %dma_wait3A_25 : memref<1x79x128xi32, #tpu.memory_space<hbm>> -> memref<79x128xi32, #tpu.memory_space<hbm>>
      tpu.wait_dma2 semaphore(%run_scoped3A : memref<!tpu.dma_semaphore, #tpu.memory_space<semaphore_mem>>) src(%dma_wait3A_26 : memref<79x128xi32, #tpu.memory_space<hbm>>) dst(%arg8 : memref<79x128xi32, #tpu.memory_space<vmem>>)
      tpu.yield
    }) : () -> ()
    %barrier3A = arith.constant 0 : index
    tpu.barrier barrier_id(%barrier3A)
    %scan3A = arith.constant 0 : i32
    %scan3A_1 = arith.constant 0 : i32
    %scan3A_2 = arith.constant 79 : i32
    %scan3A_3 = arith.addi %scan3A_1, %scan3A_2 : i32
    %scan3A_4 = arith.constant 1 : i32
    scf.for %scan3A_13 = %scan3A_1 to %scan3A_3 step %scan3A_4  : i32 {
      %dma_start3A = arith.constant 0 : i32
      %dma_start3A_14 = tpu.memref_slice %arg7[%scan3A_13, %dma_start3A] : memref<79x128xi32, #tpu.memory_space<vmem>> -> memref<1x128xi32, #tpu.memory_space<vmem>>
      %dma_start3A_15 = tpu.memref_squeeze %dma_start3A_14 : memref<1x128xi32, #tpu.memory_space<vmem>> -> memref<128xi32, #tpu.memory_space<vmem>>
      %dma_start3A_16 = arith.constant 0 : i32
      %dma_start3A_17 = arith.constant 0 : i32
      %dma_start3A_18 = tpu.memref_slice %arg2[%dma_start3A_16, %dma_start3A_17] : memref<20002x128xf32, #tpu.memory_space<hbm>> -> memref<20002x128xf32, #tpu.memory_space<hbm>>
      tpu.enqueue_indirect_dma source(%dma_start3A_18 : memref<20002x128xf32, #tpu.memory_space<hbm>>) target(%arg9 : memref<128x128xf32, #tpu.memory_space<vmem>>) offsets(%dma_start3A_15 : memref<128xi32, #tpu.memory_space<vmem>>) semaphore(%arg11 : memref<!tpu.dma_semaphore, #tpu.memory_space<semaphore_mem>>)
      %dma_wait3A = arith.constant 0 : i32
      %dma_wait3A_19 = tpu.memref_slice %arg7[%scan3A_13, %dma_wait3A] : memref<79x128xi32, #tpu.memory_space<vmem>> -> memref<1x128xi32, #tpu.memory_space<vmem>>
      %dma_wait3A_20 = tpu.memref_squeeze %dma_wait3A_19 : memref<1x128xi32, #tpu.memory_space<vmem>> -> memref<128xi32, #tpu.memory_space<vmem>>
      %dma_wait3A_21 = arith.constant 0 : i32
      %dma_wait3A_22 = arith.constant 0 : i32
      %dma_wait3A_23 = tpu.memref_slice %arg2[%dma_wait3A_21, %dma_wait3A_22] : memref<20002x128xf32, #tpu.memory_space<hbm>> -> memref<20002x128xf32, #tpu.memory_space<hbm>>
      tpu.wait_indirect_dma semaphore(%arg11 : memref<!tpu.dma_semaphore, #tpu.memory_space<semaphore_mem>>) src(%dma_wait3A_23 : memref<20002x128xf32, #tpu.memory_space<hbm>>) dst(%arg9 : memref<128x128xf32, #tpu.memory_space<vmem>>)
      "tpu.region"() ({
        %run_scoped3A = tpu.sem_alloc : memref<!tpu.dma_semaphore, #tpu.memory_space<semaphore_mem>>
        %dma_start3A_24 = arith.constant 0 : i32
        %dma_start3A_25 = tpu.memref_slice %arg8[%scan3A_13, %dma_start3A_24] : memref<79x128xi32, #tpu.memory_space<vmem>> -> memref<1x128xi32, #tpu.memory_space<vmem>>
        %dma_start3A_26 = tpu.memref_squeeze %dma_start3A_25 : memref<1x128xi32, #tpu.memory_space<vmem>> -> memref<128xi32, #tpu.memory_space<vmem>>
        %dma_start3A_27 = arith.constant 0 : i32
        %dma_start3A_28 = arith.constant 0 : i32
        %dma_start3A_29 = tpu.memref_slice %arg10[%dma_start3A_27, %dma_start3A_28] : memref<10112x128xf32, #tpu.memory_space<vmem_shared>> -> memref<10112x128xf32, #tpu.memory_space<vmem_shared>>
        tpu.enqueue_indirect_dma source(%arg9 : memref<128x128xf32, #tpu.memory_space<vmem>>) target(%dma_start3A_29 : memref<10112x128xf32, #tpu.memory_space<vmem_shared>>) offsets(%dma_start3A_26 : memref<128xi32, #tpu.memory_space<vmem>>) semaphore(%run_scoped3A : memref<!tpu.dma_semaphore, #tpu.memory_space<semaphore_mem>>) {add = true}
        %dma_wait3A_30 = arith.constant 0 : i32
        %dma_wait3A_31 = tpu.memref_slice %arg8[%scan3A_13, %dma_wait3A_30] : memref<79x128xi32, #tpu.memory_space<vmem>> -> memref<1x128xi32, #tpu.memory_space<vmem>>
        %dma_wait3A_32 = tpu.memref_squeeze %dma_wait3A_31 : memref<1x128xi32, #tpu.memory_space<vmem>> -> memref<128xi32, #tpu.memory_space<vmem>>
        %dma_wait3A_33 = arith.constant 0 : i32
        %dma_wait3A_34 = arith.constant 0 : i32
        %dma_wait3A_35 = tpu.memref_slice %arg10[%dma_wait3A_33, %dma_wait3A_34] : memref<10112x128xf32, #tpu.memory_space<vmem_shared>> -> memref<10112x128xf32, #tpu.memory_space<vmem_shared>>
        tpu.wait_indirect_dma semaphore(%run_scoped3A : memref<!tpu.dma_semaphore, #tpu.memory_space<semaphore_mem>>) src(%arg9 : memref<128x128xf32, #tpu.memory_space<vmem>>) dst(%dma_wait3A_35 : memref<10112x128xf32, #tpu.memory_space<vmem_shared>>)
        tpu.yield
      }) : () -> ()
    }
    %scan3A_5 = arith.constant 79 : i32
    %barrier3A_6 = arith.constant 0 : index
    tpu.barrier barrier_id(%barrier3A_6)
    %mul3A_7 = arith.constant 632 : i32
    %mul3A_8 = arith.muli %arg1, %mul3A_7 : i32
    %mul3A_9 = arith.constant 10112 : i32
    %mul3A_10 = arith.muli %arg0, %mul3A_9 : i32
    %mul3A_11 = arith.constant 632 : i32
    %mul3A_12 = arith.muli %arg1, %mul3A_11 : i32
    %add3A = arith.addi %mul3A_10, %mul3A_12 : i32
    "tpu.region"() ({
      %run_scoped3A = tpu.sem_alloc : memref<!tpu.dma_semaphore, #tpu.memory_space<semaphore_mem>>
      %dma_start3A = arith.constant 0 : i32
      %dma_start3A_13 = tpu.memref_slice %arg6[%add3A, %dma_start3A] : memref<20224x128xf32, #tpu.memory_space<hbm>> -> memref<632x128xf32, #tpu.memory_space<hbm>>
      %dma_start3A_14 = arith.constant 0 : i32
      %dma_start3A_15 = tpu.memref_slice %arg10[%mul3A_8, %dma_start3A_14] : memref<10112x128xf32, #tpu.memory_space<vmem_shared>> -> memref<632x128xf32, #tpu.memory_space<vmem_shared>>
      tpu.enqueue_dma source(%dma_start3A_15 : memref<632x128xf32, #tpu.memory_space<vmem_shared>>) target(%dma_start3A_13 : memref<632x128xf32, #tpu.memory_space<hbm>>) target_semaphore(%run_scoped3A : memref<!tpu.dma_semaphore, #tpu.memory_space<semaphore_mem>>)
      %dma_wait3A = arith.constant 0 : i32
      %dma_wait3A_16 = tpu.memref_slice %arg6[%add3A, %dma_wait3A] : memref<20224x128xf32, #tpu.memory_space<hbm>> -> memref<632x128xf32, #tpu.memory_space<hbm>>
      %dma_wait3A_17 = arith.constant 0 : i32
      %dma_wait3A_18 = tpu.memref_slice %arg10[%mul3A_8, %dma_wait3A_17] : memref<10112x128xf32, #tpu.memory_space<vmem_shared>> -> memref<632x128xf32, #tpu.memory_space<vmem_shared>>
      tpu.wait_dma2 semaphore(%run_scoped3A : memref<!tpu.dma_semaphore, #tpu.memory_space<semaphore_mem>>) src(%dma_wait3A_18 : memref<632x128xf32, #tpu.memory_space<vmem_shared>>) dst(%dma_wait3A_16 : memref<632x128xf32, #tpu.memory_space<hbm>>)
      tpu.yield
    }) : () -> ()
    return
  }
}

module attributes {stable_mosaic.version = 14 : i64} {
  func.func @_tc1_body(%arg0: i32, %arg1: memref<2000x256xf32, #tpu.memory_space<vmem>>, %arg2: memref<2000x1xi32, #tpu.memory_space<vmem>>, %arg3: memref<256x256xbf16, #tpu.memory_space<vmem>>, %arg4: memref<256x128xbf16, #tpu.memory_space<vmem>>, %arg5: memref<256x256xbf16, #tpu.memory_space<vmem>>, %arg6: memref<128x128xbf16, #tpu.memory_space<vmem>>, %arg7: memref<2000x128xbf16, #tpu.memory_space<vmem>>, %arg8: memref<128x256xf32, #tpu.memory_space<vmem>>, %arg9: memref<128x256xf32, #tpu.memory_space<vmem>>, %arg10: memref<128x256xf32, #tpu.memory_space<vmem>>) attributes {dimension_semantics = [#tpu.dimension_semantics<arbitrary>], iteration_bounds = array<i64: 5>, scalar_prefetch = 0 : i64, scratch_operands = 0 : i64, tpu.core_type = #tpu.core_type<tc>, window_params = [{transform_indices = @transform_0, window_bounds = array<i64: 2000, 256>}, {transform_indices = @transform_1, window_bounds = array<i64: 2000, 1>}, {pipeline_mode = #tpu.pipeline_mode<synchronous>, transform_indices = @transform_2, window_bounds = array<i64: 256, 256>}, {pipeline_mode = #tpu.pipeline_mode<synchronous>, transform_indices = @transform_3, window_bounds = array<i64: 256, 128>}, {pipeline_mode = #tpu.pipeline_mode<synchronous>, transform_indices = @transform_4, window_bounds = array<i64: 256, 256>}, {pipeline_mode = #tpu.pipeline_mode<synchronous>, transform_indices = @transform_5, window_bounds = array<i64: 128, 128>}, {transform_indices = @transform_6, window_bounds = array<i64: 2000, 128>}, {pipeline_mode = #tpu.pipeline_mode<synchronous>, transform_indices = @transform_7, window_bounds = array<i64: 128, 256>}, {pipeline_mode = #tpu.pipeline_mode<synchronous>, transform_indices = @transform_8, window_bounds = array<i64: 128, 256>}, {pipeline_mode = #tpu.pipeline_mode<synchronous>, transform_indices = @transform_9, window_bounds = array<i64: 128, 256>}]} {
    %get3A = arith.constant 0 : index
    %get3A_0 = arith.constant 0 : index
    %get3A_1 = vector.load %arg1[%get3A, %get3A_0] : memref<2000x256xf32, #tpu.memory_space<vmem>>, vector<2000x256xf32>
    %convert_element_type3A = arith.truncf %get3A_1 : vector<2000x256xf32> to vector<2000x256xbf16>
    %get3A_2 = arith.constant 0 : index
    %get3A_3 = arith.constant 0 : index
    %get3A_4 = vector.load %arg3[%get3A_2, %get3A_3] : memref<256x256xbf16, #tpu.memory_space<vmem>>, vector<256x256xbf16>
    %dot_general3A = arith.constant dense<0.000000e+00> : vector<2000x256xf32>
    %dot_general3A_5 = tpu.matmul %convert_element_type3A, %get3A_4, %dot_general3A {dimension_numbers = #tpu.dot_dimension_numbers<[1], [0], [0], [1], [0, 0, 1, 1], [], []>, transpose_lhs_hint = false} : vector<2000x256xbf16>, vector<256x256xbf16>, vector<2000x256xf32> -> vector<2000x256xf32>
    %max3A = arith.constant 0.000000e+00 : f32
    %max3A_6 = vector.broadcast %max3A : f32 to vector<2000x256xf32>
    %max3A_7 = arith.maximumf %dot_general3A_5, %max3A_6 : vector<2000x256xf32>
    %convert_element_type3A_8 = arith.truncf %max3A_7 : vector<2000x256xf32> to vector<2000x256xbf16>
    %get3A_9 = arith.constant 0 : index
    %get3A_10 = arith.constant 0 : index
    %get3A_11 = vector.load %arg4[%get3A_9, %get3A_10] : memref<256x128xbf16, #tpu.memory_space<vmem>>, vector<256x128xbf16>
    %dot_general3A_12 = arith.constant dense<0.000000e+00> : vector<2000x128xf32>
    %dot_general3A_13 = tpu.matmul %convert_element_type3A_8, %get3A_11, %dot_general3A_12 {dimension_numbers = #tpu.dot_dimension_numbers<[1], [0], [0], [1], [0, 0, 1, 1], [], []>, transpose_lhs_hint = false} : vector<2000x256xbf16>, vector<256x128xbf16>, vector<2000x128xf32> -> vector<2000x128xf32>
    %iota3A = tpu.iota {dimensions = array<i32: 1>} : vector<2000x128xi32>
    %lt3A = arith.constant 8 : i32
    %lt3A_14 = vector.broadcast %lt3A : i32 to vector<2000x128xi32>
    %lt3A_15 = arith.cmpi slt, %iota3A, %lt3A_14 : vector<2000x128xi32>
    %jit3A = arith.constant -1.000000e+30 : f32
    %broadcast_in_dim3A = vector.broadcast %jit3A : f32 to vector<2000x128xf32>
    %select_n3A = arith.select %lt3A_15, %dot_general3A_13, %broadcast_in_dim3A : vector<2000x128xi1>, vector<2000x128xf32>
    %reduce_max3A = arith.constant dense<0xFF800000> : vector<2000xf32>
    %reduce_max3A_16 = vector.multi_reduction <maximumf>, %select_n3A, %reduce_max3A [1] : vector<2000x128xf32> to vector<2000xf32>
    %broadcast_in_dim3A_17 = vector.shape_cast %reduce_max3A_16 : vector<2000xf32> to vector<2000x1xf32>
    %sub3A = vector.broadcast %broadcast_in_dim3A_17 : vector<2000x1xf32> to vector<2000x128xf32>
    %sub3A_18 = arith.subf %select_n3A, %sub3A : vector<2000x128xf32>
    %exp3A = math.exp %sub3A_18 : vector<2000x128xf32>
    %reduce_sum3A = arith.constant dense<0.000000e+00> : vector<2000xf32>
    %reduce_sum3A_19 = vector.multi_reduction <add>, %exp3A, %reduce_sum3A [1] : vector<2000x128xf32> to vector<2000xf32>
    %broadcast_in_dim3A_20 = vector.shape_cast %reduce_sum3A_19 : vector<2000xf32> to vector<2000x1xf32>
    %div3A = vector.broadcast %broadcast_in_dim3A_20 : vector<2000x1xf32> to vector<2000x128xf32>
    %div3A_21 = arith.divf %exp3A, %div3A : vector<2000x128xf32>
    %convert_element_type3A_22 = arith.truncf %div3A_21 : vector<2000x128xf32> to vector<2000x128xbf16>
    %get3A_23 = arith.constant 0 : index
    %get3A_24 = arith.constant 0 : index
    %get3A_25 = vector.load %arg6[%get3A_23, %get3A_24] : memref<128x128xbf16, #tpu.memory_space<vmem>>, vector<128x128xbf16>
    %dot_general3A_26 = arith.constant dense<0.000000e+00> : vector<2000x128xf32>
    %dot_general3A_27 = tpu.matmul %convert_element_type3A_22, %get3A_25, %dot_general3A_26 {dimension_numbers = #tpu.dot_dimension_numbers<[1], [0], [0], [1], [0, 0, 1, 1], [], []>, transpose_lhs_hint = false} : vector<2000x128xbf16>, vector<128x128xbf16>, vector<2000x128xf32> -> vector<2000x128xf32>
    %get3A_28 = arith.constant 0 : index
    %get3A_29 = arith.constant 0 : index
    %get3A_30 = vector.load %arg2[%get3A_28, %get3A_29] : memref<2000x1xi32, #tpu.memory_space<vmem>>, vector<2000x1xi32>
    %jit3A_31 = arith.constant 8 : i32
    %div3A_32 = vector.broadcast %jit3A_31 : i32 to vector<2000x128xi32>
    %div3A_33 = arith.divsi %iota3A, %div3A_32 : vector<2000x128xi32>
    %sign3A = arith.constant 0 : i32
    %sign3A_34 = vector.broadcast %sign3A : i32 to vector<2000x128xi32>
    %sign3A_35 = arith.cmpi sgt, %iota3A, %sign3A_34 : vector<2000x128xi32>
    %sign3A_36 = arith.extui %sign3A_35 : vector<2000x128xi1> to vector<2000x128xi32>
    %sign3A_37 = arith.constant 0 : i32
    %sign3A_38 = vector.broadcast %sign3A_37 : i32 to vector<2000x128xi32>
    %sign3A_39 = arith.cmpi slt, %iota3A, %sign3A_38 : vector<2000x128xi32>
    %sign3A_40 = arith.extui %sign3A_39 : vector<2000x128xi1> to vector<2000x128xi32>
    %sign3A_41 = arith.subi %sign3A_36, %sign3A_40 : vector<2000x128xi32>
    %sign3A_42 = arith.constant 0 : i32
    %sign3A_43 = arith.cmpi sgt, %jit3A_31, %sign3A_42 : i32
    %sign3A_44 = arith.extui %sign3A_43 : i1 to i32
    %sign3A_45 = arith.constant 0 : i32
    %sign3A_46 = arith.cmpi slt, %jit3A_31, %sign3A_45 : i32
    %sign3A_47 = arith.extui %sign3A_46 : i1 to i32
    %sign3A_48 = arith.subi %sign3A_44, %sign3A_47 : i32
    %ne3A = vector.broadcast %sign3A_48 : i32 to vector<2000x128xi32>
    %ne3A_49 = arith.cmpi ne, %sign3A_41, %ne3A : vector<2000x128xi32>
    %rem3A = vector.broadcast %jit3A_31 : i32 to vector<2000x128xi32>
    %rem3A_50 = arith.remsi %iota3A, %rem3A : vector<2000x128xi32>
    %ne3A_51 = arith.constant 0 : i32
    %ne3A_52 = vector.broadcast %ne3A_51 : i32 to vector<2000x128xi32>
    %ne3A_53 = arith.cmpi ne, %rem3A_50, %ne3A_52 : vector<2000x128xi32>
    %and3A = arith.andi %ne3A_49, %ne3A_53 : vector<2000x128xi1>
    %sub3A_54 = arith.constant 1 : i32
    %sub3A_55 = vector.broadcast %sub3A_54 : i32 to vector<2000x128xi32>
    %sub3A_56 = arith.subi %div3A_33, %sub3A_55 : vector<2000x128xi32>
    %select_n3A_57 = arith.select %and3A, %sub3A_56, %div3A_33 : vector<2000x128xi1>, vector<2000x128xi32>
    %eq3A = vector.broadcast %get3A_30 : vector<2000x1xi32> to vector<2000x128xi32>
    %eq3A_58 = arith.cmpi eq, %eq3A, %select_n3A_57 : vector<2000x128xi32>
    %convert_element_type3A_59 = arith.extui %eq3A_58 : vector<2000x128xi1> to vector<2000x128xi32>
    %convert_element_type3A_60 = arith.sitofp %convert_element_type3A_59 : vector<2000x128xi32> to vector<2000x128xf32>
    %mul3A = arith.mulf %convert_element_type3A_60, %dot_general3A_27 : vector<2000x128xf32>
    %convert_element_type3A_61 = arith.truncf %mul3A : vector<2000x128xf32> to vector<2000x128xbf16>
    %swap3A = arith.constant 0 : index
    %swap3A_62 = arith.constant 0 : index
    %swap3A_63 = vector.load %arg7[%swap3A, %swap3A_62] : memref<2000x128xbf16, #tpu.memory_space<vmem>>, vector<2000x128xbf16>
    tpu.vector_store %arg7[%swap3A, %swap3A_62], %convert_element_type3A_61 {strides = array<i32>} : memref<2000x128xbf16, #tpu.memory_space<vmem>>, vector<2000x128xbf16>,
    %get3A_64 = arith.constant 0 : index
    %get3A_65 = arith.constant 0 : index
    %get3A_66 = vector.load %arg5[%get3A_64, %get3A_65] : memref<256x256xbf16, #tpu.memory_space<vmem>>, vector<256x256xbf16>
    %dot_general3A_67 = arith.constant dense<0.000000e+00> : vector<2000x256xf32>
    %dot_general3A_68 = tpu.matmul %convert_element_type3A, %get3A_66, %dot_general3A_67 {dimension_numbers = #tpu.dot_dimension_numbers<[1], [0], [0], [1], [0, 0, 1, 1], [], []>, transpose_lhs_hint = false} : vector<2000x256xbf16>, vector<256x256xbf16>, vector<2000x256xf32> -> vector<2000x256xf32>
    %convert_element_type3A_69 = arith.truncf %dot_general3A_68 : vector<2000x256xf32> to vector<2000x256xbf16>
    %dot_general3A_70 = arith.constant dense<0.000000e+00> : vector<128x256xf32>
    %dot_general3A_71 = tpu.matmul %convert_element_type3A_61, %convert_element_type3A_69, %dot_general3A_70 {dimension_numbers = #tpu.dot_dimension_numbers<[0], [0], [1], [1], [0, 1, 1, 1], [], []>, transpose_lhs_hint = false} : vector<2000x128xbf16>, vector<2000x256xbf16>, vector<128x256xf32> -> vector<128x256xf32>
    %broadcast_in_dim3A_72 = arith.constant 1.000000e+00 : bf16
    %broadcast_in_dim3A_73 = vector.broadcast %broadcast_in_dim3A_72 : bf16 to vector<2000x256xbf16>
    %dot_general3A_74 = arith.constant dense<0.000000e+00> : vector<128x256xf32>
    %dot_general3A_75 = tpu.matmul %convert_element_type3A_61, %broadcast_in_dim3A_73, %dot_general3A_74 {dimension_numbers = #tpu.dot_dimension_numbers<[0], [0], [1], [1], [0, 1, 1, 1], [], []>, transpose_lhs_hint = false} : vector<2000x128xbf16>, vector<2000x256xbf16>, vector<128x256xf32> -> vector<128x256xf32>
    %dot_general3A_76 = arith.constant dense<0.000000e+00> : vector<128x256xf32>
    %dot_general3A_77 = tpu.matmul %convert_element_type3A_61, %convert_element_type3A, %dot_general3A_76 {dimension_numbers = #tpu.dot_dimension_numbers<[0], [0], [1], [1], [0, 1, 1, 1], [], []>, transpose_lhs_hint = false} : vector<2000x128xbf16>, vector<2000x256xbf16>, vector<128x256xf32> -> vector<128x256xf32>
    %eq3A_78 = arith.constant 0 : i32
    %eq3A_79 = arith.cmpi eq, %arg0, %eq3A_78 : i32
    %convert_element_type3A_80 = arith.extui %eq3A_79 : i1 to i32
    %cond3A = arith.constant 0 : i32
    %cond3A_81 = arith.cmpi ne, %convert_element_type3A_80, %cond3A : i32
    scf.if %cond3A_81 {
      %swap3A_86 = arith.constant 0 : index
      %swap3A_87 = arith.constant 0 : index
      %swap3A_88 = vector.load %arg8[%swap3A_86, %swap3A_87] : memref<128x256xf32, #tpu.memory_space<vmem>>, vector<128x256xf32>
      tpu.vector_store %arg8[%swap3A_86, %swap3A_87], %dot_general3A_71 {strides = array<i32>} : memref<128x256xf32, #tpu.memory_space<vmem>>, vector<128x256xf32>,
      %swap3A_89 = arith.constant 0 : index
      %swap3A_90 = arith.constant 0 : index
      %swap3A_91 = vector.load %arg9[%swap3A_89, %swap3A_90] : memref<128x256xf32, #tpu.memory_space<vmem>>, vector<128x256xf32>
      tpu.vector_store %arg9[%swap3A_89, %swap3A_90], %dot_general3A_75 {strides = array<i32>} : memref<128x256xf32, #tpu.memory_space<vmem>>, vector<128x256xf32>,
      %swap3A_92 = arith.constant 0 : index
      %swap3A_93 = arith.constant 0 : index
      %swap3A_94 = vector.load %arg10[%swap3A_92, %swap3A_93] : memref<128x256xf32, #tpu.memory_space<vmem>>, vector<128x256xf32>
      tpu.vector_store %arg10[%swap3A_92, %swap3A_93], %dot_general3A_77 {strides = array<i32>} : memref<128x256xf32, #tpu.memory_space<vmem>>, vector<128x256xf32>,
    } else {
    }
    %gt3A = arith.constant 0 : i32
    %gt3A_82 = arith.cmpi sgt, %arg0, %gt3A : i32
    %convert_element_type3A_83 = arith.extui %gt3A_82 : i1 to i32
    %cond3A_84 = arith.constant 0 : i32
    %cond3A_85 = arith.cmpi ne, %convert_element_type3A_83, %cond3A_84 : i32
    scf.if %cond3A_85 {
      %get3A_86 = arith.constant 0 : index
      %get3A_87 = arith.constant 0 : index
      %get3A_88 = vector.load %arg8[%get3A_86, %get3A_87] : memref<128x256xf32, #tpu.memory_space<vmem>>, vector<128x256xf32>
      %add3A = arith.addf %get3A_88, %dot_general3A_71 : vector<128x256xf32>
      %swap3A_89 = arith.constant 0 : index
      %swap3A_90 = arith.constant 0 : index
      %swap3A_91 = vector.load %arg8[%swap3A_89, %swap3A_90] : memref<128x256xf32, #tpu.memory_space<vmem>>, vector<128x256xf32>
      tpu.vector_store %arg8[%swap3A_89, %swap3A_90], %add3A {strides = array<i32>} : memref<128x256xf32, #tpu.memory_space<vmem>>, vector<128x256xf32>,
      %get3A_92 = arith.constant 0 : index
      %get3A_93 = arith.constant 0 : index
      %get3A_94 = vector.load %arg9[%get3A_92, %get3A_93] : memref<128x256xf32, #tpu.memory_space<vmem>>, vector<128x256xf32>
      %add3A_95 = arith.addf %get3A_94, %dot_general3A_75 : vector<128x256xf32>
      %swap3A_96 = arith.constant 0 : index
      %swap3A_97 = arith.constant 0 : index
      %swap3A_98 = vector.load %arg9[%swap3A_96, %swap3A_97] : memref<128x256xf32, #tpu.memory_space<vmem>>, vector<128x256xf32>
      tpu.vector_store %arg9[%swap3A_96, %swap3A_97], %add3A_95 {strides = array<i32>} : memref<128x256xf32, #tpu.memory_space<vmem>>, vector<128x256xf32>,
      %get3A_99 = arith.constant 0 : index
      %get3A_100 = arith.constant 0 : index
      %get3A_101 = vector.load %arg10[%get3A_99, %get3A_100] : memref<128x256xf32, #tpu.memory_space<vmem>>, vector<128x256xf32>
      %add3A_102 = arith.addf %get3A_101, %dot_general3A_77 : vector<128x256xf32>
      %swap3A_103 = arith.constant 0 : index
      %swap3A_104 = arith.constant 0 : index
      %swap3A_105 = vector.load %arg10[%swap3A_103, %swap3A_104] : memref<128x256xf32, #tpu.memory_space<vmem>>, vector<128x256xf32>
      tpu.vector_store %arg10[%swap3A_103, %swap3A_104], %add3A_102 {strides = array<i32>} : memref<128x256xf32, #tpu.memory_space<vmem>>, vector<128x256xf32>,
    } else {
    }
    return
  }
  func.func @transform_0(%arg0: i32) -> (i32, i32) {
    %c0_i32 = arith.constant 0 : i32
    %c0_i32_0 = arith.constant 0 : i32
    return %arg0, %c0_i32 : i32, i32
  }
  func.func @transform_1(%arg0: i32) -> (i32, i32) {
    %c0_i32 = arith.constant 0 : i32
    %c0_i32_0 = arith.constant 0 : i32
    return %arg0, %c0_i32 : i32, i32
  }
  func.func @transform_2(%arg0: i32) -> (i32, i32) {
    %c0_i32 = arith.constant 0 : i32
    %c0_i32_0 = arith.constant 0 : i32
    %c0_i32_1 = arith.constant 0 : i32
    return %c0_i32, %c0_i32_0 : i32, i32
  }
  func.func @transform_3(%arg0: i32) -> (i32, i32) {
    %c0_i32 = arith.constant 0 : i32
    %c0_i32_0 = arith.constant 0 : i32
    %c0_i32_1 = arith.constant 0 : i32
    return %c0_i32, %c0_i32_0 : i32, i32
  }
  func.func @transform_4(%arg0: i32) -> (i32, i32) {
    %c0_i32 = arith.constant 0 : i32
    %c0_i32_0 = arith.constant 0 : i32
    %c0_i32_1 = arith.constant 0 : i32
    return %c0_i32, %c0_i32_0 : i32, i32
  }
  func.func @transform_5(%arg0: i32) -> (i32, i32) {
    %c0_i32 = arith.constant 0 : i32
    %c0_i32_0 = arith.constant 0 : i32
    %c0_i32_1 = arith.constant 0 : i32
    return %c0_i32, %c0_i32_0 : i32, i32
  }
  func.func @transform_6(%arg0: i32) -> (i32, i32) {
    %c0_i32 = arith.constant 0 : i32
    %c0_i32_0 = arith.constant 0 : i32
    return %arg0, %c0_i32 : i32, i32
  }
  func.func @transform_7(%arg0: i32) -> (i32, i32) {
    %c0_i32 = arith.constant 0 : i32
    %c0_i32_0 = arith.constant 0 : i32
    %c0_i32_1 = arith.constant 0 : i32
    return %c0_i32, %c0_i32_0 : i32, i32
  }
  func.func @transform_8(%arg0: i32) -> (i32, i32) {
    %c0_i32 = arith.constant 0 : i32
    %c0_i32_0 = arith.constant 0 : i32
    %c0_i32_1 = arith.constant 0 : i32
    return %c0_i32, %c0_i32_0 : i32, i32
  }
  func.func @transform_9(%arg0: i32) -> (i32, i32) {
    %c0_i32 = arith.constant 0 : i32
    %c0_i32_0 = arith.constant 0 : i32
    %c0_i32_1 = arith.constant 0 : i32
    return %c0_i32, %c0_i32_0 : i32, i32
  }
}

module attributes {stable_mosaic.version = 14 : i64} {
  func.func @_tc2_body(%arg0: i32, %arg1: memref<2000x128xbf16, #tpu.memory_space<vmem>>, %arg2: memref<2000x1xi32, #tpu.memory_space<vmem>>, %arg3: memref<1x2000x128xf32, #tpu.memory_space<vmem>>, %arg4: memref<1x2000x128xf32, #tpu.memory_space<vmem>>, %arg5: memref<128x256xf32, #tpu.memory_space<vmem>>, %arg6: memref<128x256xf32, #tpu.memory_space<vmem>>, %arg7: memref<128x256xf32, #tpu.memory_space<vmem>>, %arg8: memref<256x256xbf16, #tpu.memory_space<vmem>>, %arg9: memref<256x256xbf16, #tpu.memory_space<vmem>>, %arg10: memref<256x256xbf16, #tpu.memory_space<vmem>>, %arg11: memref<256x256xbf16, #tpu.memory_space<vmem>>, %arg12: memref<512x128xbf16, #tpu.memory_space<vmem>>, %arg13: memref<128x128xbf16, #tpu.memory_space<vmem>>, %arg14: memref<16x128xbf16, #tpu.memory_space<vmem>>, %arg15: memref<16x128xf32, #tpu.memory_space<vmem>>, %arg16: memref<128x256xbf16, #tpu.memory_space<vmem>>, %arg17: memref<128x256xbf16, #tpu.memory_space<vmem>>, %arg18: memref<16x256xf32, #tpu.memory_space<vmem>>, %arg19: memref<16x256xf32, #tpu.memory_space<vmem>>) attributes {dimension_semantics = [#tpu.dimension_semantics<arbitrary>], iteration_bounds = array<i64: 5>, scalar_prefetch = 0 : i64, scratch_operands = 4 : i64, tpu.core_type = #tpu.core_type<tc>, window_params = [{transform_indices = @transform_0, window_bounds = array<i64: 2000, 128>}, {transform_indices = @transform_1, window_bounds = array<i64: 2000, 1>}, {transform_indices = @transform_2, window_bounds = array<i64: 1, 2000, 128>}, {transform_indices = @transform_3, window_bounds = array<i64: 1, 2000, 128>}, {pipeline_mode = #tpu.pipeline_mode<synchronous>, transform_indices = @transform_4, window_bounds = array<i64: 128, 256>}, {pipeline_mode = #tpu.pipeline_mode<synchronous>, transform_indices = @transform_5, window_bounds = array<i64: 128, 256>}, {pipeline_mode = #tpu.pipeline_mode<synchronous>, transform_indices = @transform_6, window_bounds = array<i64: 128, 256>}, {pipeline_mode = #tpu.pipeline_mode<synchronous>, transform_indices = @transform_7, window_bounds = array<i64: 256, 256>}, {pipeline_mode = #tpu.pipeline_mode<synchronous>, transform_indices = @transform_8, window_bounds = array<i64: 256, 256>}, {pipeline_mode = #tpu.pipeline_mode<synchronous>, transform_indices = @transform_9, window_bounds = array<i64: 256, 256>}, {pipeline_mode = #tpu.pipeline_mode<synchronous>, transform_indices = @transform_10, window_bounds = array<i64: 256, 256>}, {pipeline_mode = #tpu.pipeline_mode<synchronous>, transform_indices = @transform_11, window_bounds = array<i64: 512, 128>}, {pipeline_mode = #tpu.pipeline_mode<synchronous>, transform_indices = @transform_12, window_bounds = array<i64: 128, 128>}, {pipeline_mode = #tpu.pipeline_mode<synchronous>, transform_indices = @transform_13, window_bounds = array<i64: 16, 128>}, {pipeline_mode = #tpu.pipeline_mode<synchronous>, transform_indices = @transform_14, window_bounds = array<i64: 16, 128>}]} {
    %eq3A = arith.constant 0 : i32
    %eq3A_0 = arith.cmpi eq, %arg0, %eq3A : i32
    %convert_element_type3A = arith.extui %eq3A_0 : i1 to i32
    %cond3A = arith.constant 0 : i32
    %cond3A_1 = arith.cmpi ne, %convert_element_type3A, %cond3A : i32
    scf.if %cond3A_1 {
      %get3A_69 = arith.constant 0 : index
      %get3A_70 = arith.constant 0 : index
      %get3A_71 = vector.load %arg5[%get3A_69, %get3A_70] : memref<128x256xf32, #tpu.memory_space<vmem>>, vector<128x256xf32>
      %get3A_72 = arith.constant 0 : index
      %get3A_73 = arith.constant 0 : index
      %get3A_74 = vector.load %arg6[%get3A_72, %get3A_73] : memref<128x256xf32, #tpu.memory_space<vmem>>, vector<128x256xf32>
      %add3A_75 = arith.constant 9.99999997E-7 : f32
      %add3A_76 = vector.broadcast %add3A_75 : f32 to vector<128x256xf32>
      %add3A_77 = arith.addf %get3A_74, %add3A_76 : vector<128x256xf32>
      %div3A = arith.divf %get3A_71, %add3A_77 : vector<128x256xf32>
      %convert_element_type3A_78 = arith.truncf %div3A : vector<128x256xf32> to vector<128x256xbf16>
      %swap3A_79 = arith.constant 0 : index
      %swap3A_80 = arith.constant 0 : index
      %swap3A_81 = vector.load %arg16[%swap3A_79, %swap3A_80] : memref<128x256xbf16, #tpu.memory_space<vmem>>, vector<128x256xbf16>
      tpu.vector_store %arg16[%swap3A_79, %swap3A_80], %convert_element_type3A_78 {strides = array<i32>} : memref<128x256xbf16, #tpu.memory_space<vmem>>, vector<128x256xbf16>,
      %get3A_82 = arith.constant 0 : index
      %get3A_83 = arith.constant 0 : index
      %get3A_84 = vector.load %arg7[%get3A_82, %get3A_83] : memref<128x256xf32, #tpu.memory_space<vmem>>, vector<128x256xf32>
      %convert_element_type3A_85 = arith.truncf %get3A_84 : vector<128x256xf32> to vector<128x256xbf16>
      %get3A_86 = arith.constant 0 : index
      %get3A_87 = arith.constant 0 : index
      %get3A_88 = vector.load %arg10[%get3A_86, %get3A_87] : memref<256x256xbf16, #tpu.memory_space<vmem>>, vector<256x256xbf16>
      %dot_general3A_89 = arith.constant dense<0.000000e+00> : vector<128x256xf32>
      %dot_general3A_90 = tpu.matmul %convert_element_type3A_85, %get3A_88, %dot_general3A_89 {dimension_numbers = #tpu.dot_dimension_numbers<[1], [0], [0], [1], [0, 0, 1, 1], [], []>, transpose_lhs_hint = false} : vector<128x256xbf16>, vector<256x256xbf16>, vector<128x256xf32> -> vector<128x256xf32>
      %get3A_91 = arith.constant 0 : index
      %get3A_92 = arith.constant 0 : index
      %get3A_93 = vector.load %arg13[%get3A_91, %get3A_92] : memref<128x128xbf16, #tpu.memory_space<vmem>>, vector<128x128xbf16>
      %convert_element_type3A_94 = arith.truncf %div3A : vector<128x256xf32> to vector<128x256xbf16>
      %dot_general3A_95 = arith.constant dense<0.000000e+00> : vector<128x256xf32>
      %dot_general3A_96 = tpu.matmul %get3A_93, %convert_element_type3A_94, %dot_general3A_95 {dimension_numbers = #tpu.dot_dimension_numbers<[1], [0], [0], [1], [0, 0, 1, 1], [], []>, transpose_lhs_hint = false} : vector<128x128xbf16>, vector<128x256xbf16>, vector<128x256xf32> -> vector<128x256xf32>
      %convert_element_type3A_97 = arith.truncf %dot_general3A_96 : vector<128x256xf32> to vector<128x256xbf16>
      %get3A_98 = arith.constant 0 : index
      %get3A_99 = arith.constant 0 : index
      %get3A_100 = vector.load %arg11[%get3A_98, %get3A_99] : memref<256x256xbf16, #tpu.memory_space<vmem>>, vector<256x256xbf16>
      %dot_general3A_101 = arith.constant dense<0.000000e+00> : vector<128x256xf32>
      %dot_general3A_102 = tpu.matmul %convert_element_type3A_97, %get3A_100, %dot_general3A_101 {dimension_numbers = #tpu.dot_dimension_numbers<[1], [0], [0], [1], [0, 0, 1, 1], [], []>, transpose_lhs_hint = false} : vector<128x256xbf16>, vector<256x256xbf16>, vector<128x256xf32> -> vector<128x256xf32>
      %add3A_103 = arith.addf %dot_general3A_90, %dot_general3A_102 : vector<128x256xf32>
      %max3A_104 = arith.constant 0.000000e+00 : f32
      %max3A_105 = vector.broadcast %max3A_104 : f32 to vector<128x256xf32>
      %max3A_106 = arith.maximumf %add3A_103, %max3A_105 : vector<128x256xf32>
      %convert_element_type3A_107 = arith.truncf %max3A_106 : vector<128x256xf32> to vector<128x256xbf16>
      %swap3A_108 = arith.constant 0 : index
      %swap3A_109 = arith.constant 0 : index
      %swap3A_110 = vector.load %arg17[%swap3A_108, %swap3A_109] : memref<128x256xbf16, #tpu.memory_space<vmem>>, vector<128x256xbf16>
      tpu.vector_store %arg17[%swap3A_108, %swap3A_109], %convert_element_type3A_107 {strides = array<i32>} : memref<128x256xbf16, #tpu.memory_space<vmem>>, vector<128x256xbf16>,
      %broadcast_in_dim3A_111 = arith.constant 0.000000e+00 : f32
      %broadcast_in_dim3A_112 = vector.broadcast %broadcast_in_dim3A_111 : f32 to vector<16x256xf32>
      %swap3A_113 = arith.constant 0 : index
      %swap3A_114 = arith.constant 0 : index
      %swap3A_115 = vector.load %arg18[%swap3A_113, %swap3A_114] : memref<16x256xf32, #tpu.memory_space<vmem>>, vector<16x256xf32>
      tpu.vector_store %arg18[%swap3A_113, %swap3A_114], %broadcast_in_dim3A_112 {strides = array<i32>} : memref<16x256xf32, #tpu.memory_space<vmem>>, vector<16x256xf32>,
      %broadcast_in_dim3A_116 = arith.constant 0.000000e+00 : f32
      %broadcast_in_dim3A_117 = vector.broadcast %broadcast_in_dim3A_116 : f32 to vector<16x256xf32>
      %swap3A_118 = arith.constant 0 : index
      %swap3A_119 = arith.constant 0 : index
      %swap3A_120 = vector.load %arg19[%swap3A_118, %swap3A_119] : memref<16x256xf32, #tpu.memory_space<vmem>>, vector<16x256xf32>
      tpu.vector_store %arg19[%swap3A_118, %swap3A_119], %broadcast_in_dim3A_117 {strides = array<i32>} : memref<16x256xf32, #tpu.memory_space<vmem>>, vector<16x256xf32>,
    } else {
    }
    %get3A = arith.constant 0 : index
    %get3A_2 = arith.constant 0 : index
    %get3A_3 = vector.load %arg1[%get3A, %get3A_2] : memref<2000x128xbf16, #tpu.memory_space<vmem>>, vector<2000x128xbf16>
    %get3A_4 = arith.constant 0 : index
    %get3A_5 = arith.constant 0 : index
    %get3A_6 = vector.load %arg16[%get3A_4, %get3A_5] : memref<128x256xbf16, #tpu.memory_space<vmem>>, vector<128x256xbf16>
    %dot_general3A = arith.constant dense<0.000000e+00> : vector<2000x256xf32>
    %dot_general3A_7 = tpu.matmul %get3A_3, %get3A_6, %dot_general3A {dimension_numbers = #tpu.dot_dimension_numbers<[1], [0], [0], [1], [0, 0, 1, 1], [], []>, transpose_lhs_hint = false} : vector<2000x128xbf16>, vector<128x256xbf16>, vector<2000x256xf32> -> vector<2000x256xf32>
    %convert_element_type3A_8 = arith.truncf %dot_general3A_7 : vector<2000x256xf32> to vector<2000x256xbf16>
    %get3A_9 = arith.constant 0 : index
    %get3A_10 = arith.constant 0 : index
    %get3A_11 = vector.load %arg9[%get3A_9, %get3A_10] : memref<256x256xbf16, #tpu.memory_space<vmem>>, vector<256x256xbf16>
    %dot_general3A_12 = arith.constant dense<0.000000e+00> : vector<2000x256xf32>
    %dot_general3A_13 = tpu.matmul %convert_element_type3A_8, %get3A_11, %dot_general3A_12 {dimension_numbers = #tpu.dot_dimension_numbers<[1], [0], [0], [1], [0, 0, 1, 1], [], []>, transpose_lhs_hint = false} : vector<2000x256xbf16>, vector<256x256xbf16>, vector<2000x256xf32> -> vector<2000x256xf32>
    %get3A_14 = arith.constant 0 : index
    %get3A_15 = arith.constant 0 : index
    %get3A_16 = vector.load %arg8[%get3A_14, %get3A_15] : memref<256x256xbf16, #tpu.memory_space<vmem>>, vector<256x256xbf16>
    %get3A_17 = arith.constant 0 : index
    %get3A_18 = arith.constant 0 : index
    %get3A_19 = arith.constant 0 : index
    %get3A_20 = vector.load %arg3[%get3A_17, %get3A_18, %get3A_19] : memref<1x2000x128xf32, #tpu.memory_space<vmem>>, vector<1x2000x128xf32>
    %get3A_21 = vector.shape_cast %get3A_20 : vector<1x2000x128xf32> to vector<2000x128xf32>
    %convert_element_type3A_22 = arith.truncf %get3A_21 : vector<2000x128xf32> to vector<2000x128xbf16>
    %slice3A = vector.extract_strided_slice %get3A_16 {offsets = [0, 0], sizes = [128, 256], strides = [1, 1]} : vector<256x256xbf16> to vector<128x256xbf16>
    %dot_general3A_23 = arith.constant dense<0.000000e+00> : vector<2000x256xf32>
    %dot_general3A_24 = tpu.matmul %convert_element_type3A_22, %slice3A, %dot_general3A_23 {dimension_numbers = #tpu.dot_dimension_numbers<[1], [0], [0], [1], [0, 0, 1, 1], [], []>, transpose_lhs_hint = false} : vector<2000x128xbf16>, vector<128x256xbf16>, vector<2000x256xf32> -> vector<2000x256xf32>
    %get3A_25 = arith.constant 0 : index
    %get3A_26 = arith.constant 0 : index
    %get3A_27 = arith.constant 0 : index
    %get3A_28 = vector.load %arg4[%get3A_25, %get3A_26, %get3A_27] : memref<1x2000x128xf32, #tpu.memory_space<vmem>>, vector<1x2000x128xf32>
    %get3A_29 = vector.shape_cast %get3A_28 : vector<1x2000x128xf32> to vector<2000x128xf32>
    %convert_element_type3A_30 = arith.truncf %get3A_29 : vector<2000x128xf32> to vector<2000x128xbf16>
    %slice3A_31 = vector.extract_strided_slice %get3A_16 {offsets = [128, 0], sizes = [128, 256], strides = [1, 1]} : vector<256x256xbf16> to vector<128x256xbf16>
    %dot_general3A_32 = arith.constant dense<0.000000e+00> : vector<2000x256xf32>
    %dot_general3A_33 = tpu.matmul %convert_element_type3A_30, %slice3A_31, %dot_general3A_32 {dimension_numbers = #tpu.dot_dimension_numbers<[1], [0], [0], [1], [0, 0, 1, 1], [], []>, transpose_lhs_hint = false} : vector<2000x128xbf16>, vector<128x256xbf16>, vector<2000x256xf32> -> vector<2000x256xf32>
    %add3A = arith.addf %dot_general3A_24, %dot_general3A_33 : vector<2000x256xf32>
    %add3A_34 = arith.addf %add3A, %dot_general3A_13 : vector<2000x256xf32>
    %max3A = arith.constant 0.000000e+00 : f32
    %max3A_35 = vector.broadcast %max3A : f32 to vector<2000x256xf32>
    %max3A_36 = arith.maximumf %add3A_34, %max3A_35 : vector<2000x256xf32>
    %iota3A = tpu.iota {dimensions = array<i32: 1>} : vector<2000x16xi32>
    %get3A_37 = arith.constant 0 : index
    %get3A_38 = arith.constant 0 : index
    %get3A_39 = vector.load %arg2[%get3A_37, %get3A_38] : memref<2000x1xi32, #tpu.memory_space<vmem>>, vector<2000x1xi32>
    %eq3A_40 = vector.broadcast %get3A_39 : vector<2000x1xi32> to vector<2000x16xi32>
    %eq3A_41 = arith.cmpi eq, %eq3A_40, %iota3A : vector<2000x16xi32>
    %convert_element_type3A_42 = arith.extui %eq3A_41 : vector<2000x16xi1> to vector<2000x16xi32>
    %convert_element_type3A_43 = arith.sitofp %convert_element_type3A_42 : vector<2000x16xi32> to vector<2000x16xf32>
    %convert_element_type3A_44 = arith.truncf %convert_element_type3A_43 : vector<2000x16xf32> to vector<2000x16xbf16>
    %get3A_45 = arith.constant 0 : index
    %get3A_46 = arith.constant 0 : index
    %get3A_47 = vector.load %arg18[%get3A_45, %get3A_46] : memref<16x256xf32, #tpu.memory_space<vmem>>, vector<16x256xf32>
    %convert_element_type3A_48 = arith.truncf %max3A_36 : vector<2000x256xf32> to vector<2000x256xbf16>
    %dot_general3A_49 = arith.constant dense<0.000000e+00> : vector<16x256xf32>
    %dot_general3A_50 = tpu.matmul %convert_element_type3A_44, %convert_element_type3A_48, %dot_general3A_49 {dimension_numbers = #tpu.dot_dimension_numbers<[0], [0], [1], [1], [0, 1, 1, 1], [], []>, transpose_lhs_hint = false} : vector<2000x16xbf16>, vector<2000x256xbf16>, vector<16x256xf32> -> vector<16x256xf32>
    %add3A_51 = arith.addf %get3A_47, %dot_general3A_50 : vector<16x256xf32>
    %swap3A = arith.constant 0 : index
    %swap3A_52 = arith.constant 0 : index
    %swap3A_53 = vector.load %arg18[%swap3A, %swap3A_52] : memref<16x256xf32, #tpu.memory_space<vmem>>, vector<16x256xf32>
    tpu.vector_store %arg18[%swap3A, %swap3A_52], %add3A_51 {strides = array<i32>} : memref<16x256xf32, #tpu.memory_space<vmem>>, vector<16x256xf32>,
    %get3A_54 = arith.constant 0 : index
    %get3A_55 = arith.constant 0 : index
    %get3A_56 = vector.load %arg19[%get3A_54, %get3A_55] : memref<16x256xf32, #tpu.memory_space<vmem>>, vector<16x256xf32>
    %broadcast_in_dim3A = arith.constant 1.000000e+00 : bf16
    %broadcast_in_dim3A_57 = vector.broadcast %broadcast_in_dim3A : bf16 to vector<2000x256xbf16>
    %dot_general3A_58 = arith.constant dense<0.000000e+00> : vector<16x256xf32>
    %dot_general3A_59 = tpu.matmul %convert_element_type3A_44, %broadcast_in_dim3A_57, %dot_general3A_58 {dimension_numbers = #tpu.dot_dimension_numbers<[0], [0], [1], [1], [0, 1, 1, 1], [], []>, transpose_lhs_hint = false} : vector<2000x16xbf16>, vector<2000x256xbf16>, vector<16x256xf32> -> vector<16x256xf32>
    %add3A_60 = arith.addf %get3A_56, %dot_general3A_59 : vector<16x256xf32>
    %swap3A_61 = arith.constant 0 : index
    %swap3A_62 = arith.constant 0 : index
    %swap3A_63 = vector.load %arg19[%swap3A_61, %swap3A_62] : memref<16x256xf32, #tpu.memory_space<vmem>>, vector<16x256xf32>
    tpu.vector_store %arg19[%swap3A_61, %swap3A_62], %add3A_60 {strides = array<i32>} : memref<16x256xf32, #tpu.memory_space<vmem>>, vector<16x256xf32>,
    %eq3A_64 = arith.constant 4 : i32
    %eq3A_65 = arith.cmpi eq, %arg0, %eq3A_64 : i32
    %convert_element_type3A_66 = arith.extui %eq3A_65 : i1 to i32
    %cond3A_67 = arith.constant 0 : i32
    %cond3A_68 = arith.cmpi ne, %convert_element_type3A_66, %cond3A_67 : i32
    scf.if %cond3A_68 {
      %get3A_69 = arith.constant 0 : index
      %get3A_70 = arith.constant 0 : index
      %get3A_71 = vector.load %arg18[%get3A_69, %get3A_70] : memref<16x256xf32, #tpu.memory_space<vmem>>, vector<16x256xf32>
      %get3A_72 = arith.constant 0 : index
      %get3A_73 = arith.constant 0 : index
      %get3A_74 = vector.load %arg19[%get3A_72, %get3A_73] : memref<16x256xf32, #tpu.memory_space<vmem>>, vector<16x256xf32>
      %add3A_75 = arith.constant 9.99999997E-7 : f32
      %add3A_76 = vector.broadcast %add3A_75 : f32 to vector<16x256xf32>
      %add3A_77 = arith.addf %get3A_74, %add3A_76 : vector<16x256xf32>
      %div3A = arith.divf %get3A_71, %add3A_77 : vector<16x256xf32>
      %get3A_78 = arith.constant 0 : index
      %get3A_79 = arith.constant 0 : index
      %get3A_80 = vector.load %arg14[%get3A_78, %get3A_79] : memref<16x128xbf16, #tpu.memory_space<vmem>>, vector<16x128xbf16>
      %get3A_81 = arith.constant 0 : index
      %get3A_82 = arith.constant 0 : index
      %get3A_83 = vector.load %arg17[%get3A_81, %get3A_82] : memref<128x256xbf16, #tpu.memory_space<vmem>>, vector<128x256xbf16>
      %dot_general3A_84 = arith.constant dense<0.000000e+00> : vector<16x256xf32>
      %dot_general3A_85 = tpu.matmul %get3A_80, %get3A_83, %dot_general3A_84 {dimension_numbers = #tpu.dot_dimension_numbers<[1], [0], [0], [1], [0, 0, 1, 1], [], []>, transpose_lhs_hint = false} : vector<16x128xbf16>, vector<128x256xbf16>, vector<16x256xf32> -> vector<16x256xf32>
      %get3A_86 = arith.constant 0 : index
      %get3A_87 = arith.constant 0 : index
      %get3A_88 = vector.load %arg12[%get3A_86, %get3A_87] : memref<512x128xbf16, #tpu.memory_space<vmem>>, vector<512x128xbf16>
      %convert_element_type3A_89 = arith.truncf %div3A : vector<16x256xf32> to vector<16x256xbf16>
      %slice3A_90 = vector.extract_strided_slice %get3A_88 {offsets = [0, 0], sizes = [256, 128], strides = [1, 1]} : vector<512x128xbf16> to vector<256x128xbf16>
      %dot_general3A_91 = arith.constant dense<0.000000e+00> : vector<16x128xf32>
      %dot_general3A_92 = tpu.matmul %convert_element_type3A_89, %slice3A_90, %dot_general3A_91 {dimension_numbers = #tpu.dot_dimension_numbers<[1], [0], [0], [1], [0, 0, 1, 1], [], []>, transpose_lhs_hint = false} : vector<16x256xbf16>, vector<256x128xbf16>, vector<16x128xf32> -> vector<16x128xf32>
      %convert_element_type3A_93 = arith.truncf %dot_general3A_85 : vector<16x256xf32> to vector<16x256xbf16>
      %slice3A_94 = vector.extract_strided_slice %get3A_88 {offsets = [256, 0], sizes = [256, 128], strides = [1, 1]} : vector<512x128xbf16> to vector<256x128xbf16>
      %dot_general3A_95 = arith.constant dense<0.000000e+00> : vector<16x128xf32>
      %dot_general3A_96 = tpu.matmul %convert_element_type3A_93, %slice3A_94, %dot_general3A_95 {dimension_numbers = #tpu.dot_dimension_numbers<[1], [0], [0], [1], [0, 0, 1, 1], [], []>, transpose_lhs_hint = false} : vector<16x256xbf16>, vector<256x128xbf16>, vector<16x128xf32> -> vector<16x128xf32>
      %add3A_97 = arith.addf %dot_general3A_92, %dot_general3A_96 : vector<16x128xf32>
      %swap3A_98 = arith.constant 0 : index
      %swap3A_99 = arith.constant 0 : index
      %swap3A_100 = vector.load %arg15[%swap3A_98, %swap3A_99] : memref<16x128xf32, #tpu.memory_space<vmem>>, vector<16x128xf32>
      tpu.vector_store %arg15[%swap3A_98, %swap3A_99], %add3A_97 {strides = array<i32>} : memref<16x128xf32, #tpu.memory_space<vmem>>, vector<16x128xf32>,
    } else {
    }
    return
  }
  func.func @transform_0(%arg0: i32) -> (i32, i32) {
    %c0_i32 = arith.constant 0 : i32
    %c0_i32_0 = arith.constant 0 : i32
    return %arg0, %c0_i32 : i32, i32
  }
  func.func @transform_1(%arg0: i32) -> (i32, i32) {
    %c0_i32 = arith.constant 0 : i32
    %c0_i32_0 = arith.constant 0 : i32
    return %arg0, %c0_i32 : i32, i32
  }
  func.func @transform_2(%arg0: i32) -> (i32, i32, i32) {
    %c0_i32 = arith.constant 0 : i32
    %c0_i32_0 = arith.constant 0 : i32
    %c0_i32_1 = arith.constant 0 : i32
    return %c0_i32, %arg0, %c0_i32_0 : i32, i32, i32
  }
  func.func @transform_3(%arg0: i32) -> (i32, i32, i32) {
    %c1_i32 = arith.constant 1 : i32
    %c0_i32 = arith.constant 0 : i32
    %c0_i32_0 = arith.constant 0 : i32
    return %c1_i32, %arg0, %c0_i32 : i32, i32, i32
  }
  func.func @transform_4(%arg0: i32) -> (i32, i32) {
    %c0_i32 = arith.constant 0 : i32
    %c0_i32_0 = arith.constant 0 : i32
    %c0_i32_1 = arith.constant 0 : i32
    return %c0_i32, %c0_i32_0 : i32, i32
  }
  func.func @transform_5(%arg0: i32) -> (i32, i32) {
    %c0_i32 = arith.constant 0 : i32
    %c0_i32_0 = arith.constant 0 : i32
    %c0_i32_1 = arith.constant 0 : i32
    return %c0_i32, %c0_i32_0 : i32, i32
  }
  func.func @transform_6(%arg0: i32) -> (i32, i32) {
    %c0_i32 = arith.constant 0 : i32
    %c0_i32_0 = arith.constant 0 : i32
    %c0_i32_1 = arith.constant 0 : i32
    return %c0_i32, %c0_i32_0 : i32, i32
  }
  func.func @transform_7(%arg0: i32) -> (i32, i32) {
    %c0_i32 = arith.constant 0 : i32
    %c0_i32_0 = arith.constant 0 : i32
    %c0_i32_1 = arith.constant 0 : i32
    return %c0_i32, %c0_i32_0 : i32, i32
  }
  func.func @transform_8(%arg0: i32) -> (i32, i32) {
    %c0_i32 = arith.constant 0 : i32
    %c0_i32_0 = arith.constant 0 : i32
    %c0_i32_1 = arith.constant 0 : i32
    return %c0_i32, %c0_i32_0 : i32, i32
  }
  func.func @transform_9(%arg0: i32) -> (i32, i32) {
    %c0_i32 = arith.constant 0 : i32
    %c0_i32_0 = arith.constant 0 : i32
    %c0_i32_1 = arith.constant 0 : i32
    return %c0_i32, %c0_i32_0 : i32, i32
  }
  func.func @transform_10(%arg0: i32) -> (i32, i32) {
    %c0_i32 = arith.constant 0 : i32
    %c0_i32_0 = arith.constant 0 : i32
    %c0_i32_1 = arith.constant 0 : i32
    return %c0_i32, %c0_i32_0 : i32, i32
  }
  func.func @transform_11(%arg0: i32) -> (i32, i32) {
    %c0_i32 = arith.constant 0 : i32
    %c0_i32_0 = arith.constant 0 : i32
    %c0_i32_1 = arith.constant 0 : i32
    return %c0_i32, %c0_i32_0 : i32, i32
  }
  func.func @transform_12(%arg0: i32) -> (i32, i32) {
    %c0_i32 = arith.constant 0 : i32
    %c0_i32_0 = arith.constant 0 : i32
    %c0_i32_1 = arith.constant 0 : i32
    return %c0_i32, %c0_i32_0 : i32, i32
  }
  func.func @transform_13(%arg0: i32) -> (i32, i32) {
    %c0_i32 = arith.constant 0 : i32
    %c0_i32_0 = arith.constant 0 : i32
    %c0_i32_1 = arith.constant 0 : i32
    return %c0_i32, %c0_i32_0 : i32, i32
  }
  func.func @transform_14(%arg0: i32) -> (i32, i32) {
    %c0_i32 = arith.constant 0 : i32
    %c0_i32_0 = arith.constant 0 : i32
    %c0_i32_1 = arith.constant 0 : i32
    return %c0_i32, %c0_i32_0 : i32, i32
  }
}

</mosaic_0001>

<sc_bundles>
// kernel: kernel.5.cloned.1.call-start
scs
__scs_entry_jumppad:
0x0: {  	(pc) =	sbr.rel $0x88, $3  }
0x1: {  	(tag) =	ssettag $0x0;
	lr =	simm.s32 $0x1  }
0x2: {  	[smem:$0x3F96] =	sst lr;
	_ =	strace $0xD0000000  }
0x3: {  	_ = 	snop  }
0x4: {  	_ = 	snop  }
0x5: {  	_ = 	snop  }
0x6: {  	_ = 	snop  }
0x7: {  	_ = 	snop  }
__scs_overlays_trampoline_lowered:
0x8: {  	[smem:$0x3FA5] =	sst s0  }
0x9: {  	[smem:$0x3FA6] =	sst s1  }
0xa: {  	[smem:$0x3FA7] =	sst s2  }
0xb: {  	[smem:$0x3FA8] =	sst s3  }
0xc: {  	[smem:$0x3FA9] =	sst s4  }
0xd: {  	[smem:$0x3FAA] =	sst s5  }
0xe: {  	[smem:$0x3FAB] =	sst s6  }
0xf: {  	[smem:$0x3FAC] =	sst s7  }
0x10: {  	[smem:$0x3FAD] =	sst s8  }
0x11: {  	[smem:$0x3FAE] =	sst s9;
	s0 =	simm.s32 @!p0 $0x0  }
0x12: {  	s1 =	sld [smem:$0x3F94];
	s0 =	simm.s32 @p0 $0x1  }
0x13: {  	[smem:$0x3FAF] =	sst s0;
	s0 =	simm.s32 @!p1 $0x0  }
0x14: {  	s2 =	sld [smem:$0x3F93];
	s0 =	simm.s32 @p1 $0x1  }
0x15: {  	[smem:$0x3FB0] =	sst s0;
	s0 =	simm.s32 @!p2 $0x0  }
0x16: {  	s3 =	sld [smem:$0x3FDB];
	s0 =	simm.s32 @p2 $0x1  }
0x17: {  	s4 =	simm.s32 $0x1BF5;
	[smem:$0x3FB2] =	sst s0  }
0x18: {  	s0 =	sld [smem:$0x3F95];
	_ =	swait.ge [sflag:s4], $0x0  }
0x19: {  	s7 =	sld [smem:$0x3F96]  }
0x1a: {  	s8 =	sadd.s32 $0xFFFFE003, lr  }
0x1b: {  	s9 =	sadd.s32 $0xFFFFFEF7, lr;
	s5 =	simm.s32 $0xFFFFFFFF;
	p2 =	slt.u32 s8, $0xFFFFF086  }
0x1c: {  	p1 =	slt.u32 s9, $0xF7A;
	s5 =	simm.s32 @!p2 $0x0  }
0x1d: {  	s5 =	simm.s32 @p1 $0x1;
	p0 =	seq.s32 s7, s2  }
0x1e: {  	s7 =	smul.u32 @!p0 $0xF7A, s2;
	p2 =	seq.s32 @!p0 s5, $0x0  }
0x1f: {  	s9 =	smul.u32 $0xF7A, s1;
	s8 =	simm.s32 @!p0 $0x1BF5;
	p2 =	por !p2, p0  }
0x20: {  	[sflag:s8] =	ssyncset.s32 @!p0 $0xFFFFF086;
	s6 =	sadd.s32 @!p0 s3, s7;
	s7 =	simm.s32 @!p0 $0x108  }
0x21: {  	s3 =	sadd.s32 s3, s9;
	s6 =	sadd.s32 @!p0 $0x88, s6;
	s7 =	simm.s32 @p2 $0x1082  }
0x22: {  	[simem:s7], [sflag:s8] =	dma.local @!p0 [hbm:s6], $0xF7A  }
0x23: {  	s9 =	sor.u32 $0xD0000000, s2;
	s6 =	simm.s32 $0x108;
	_ =	swait.ge @!p0 [sflag:s8], $0x0  }
0x24: {  	s3 =	sadd.s32 $0x88, s3;
	s6 =	simm.s32 @!p1 $0x1082;
	[sflag:s4] =	ssyncset.s32 $0xFFFFF086  }
0x25: {  	[simem:s6], [sflag:s4] =	dma.local [hbm:s3], $0xF7A  }
0x26: {  	[smem:$0x3F96] =	sst s1;
	(tag) =	ssettag s2;
	_ =	strace s9  }
0x27: {  	s1 =	sld [smem:$0x3FA6]  }
0x28: {  	s2 =	sld [smem:$0x3FA7]  }
0x29: {  	s4 =	sld [smem:$0x3FA9]  }
0x2a: {  	p0 =	seq.s32 s5, $0x0;
	s5 =	sld [smem:$0x3FAA]  }
0x2b: {  	s6 =	sld [smem:$0x3FAB]  }
0x2c: {  	s7 =	sld [smem:$0x3FAC]  }
0x2d: {  	s3 =	simm.s32 $0x108;
	s8 =	sld [smem:$0x3FAD]  }
0x2e: {  	s3 =	simm.s32 @!p0 $0x1082;
	s9 =	sld [smem:$0x3FAE]  }
0x2f: {  	lr =	sadd.s32 s0, s3;
	s0 =	sld [smem:$0x3FA5]  }
0x30: {  	s3 =	sld [smem:$0x3FA8]  }
0x31: {  	[smem:$0x3FB1] =	sst s10  }
0x32: {  	s10 =	sld [smem:$0x3FAF];
	_ =	sdelay $0x3  }
0x33: {  	p0 =	seq.s32 s10, $0x1;
	s10 =	sld [smem:$0x3FB1];
	_ =	sdelay $0x3  }
0x34: {  	[smem:$0x3FB1] =	sst s10  }
0x35: {  	s10 =	sld [smem:$0x3FB0];
	_ =	sdelay $0x3  }
0x36: {  	p1 =	seq.s32 s10, $0x1;
	s10 =	sld [smem:$0x3FB1];
	_ =	sdelay $0x3  }
0x37: {  	[smem:$0x3FB1] =	sst s10  }
0x38: {  	s10 =	sld [smem:$0x3FB2]  }
0x39: {  	_ = 	snop;
	(pc) =	sbr.ind lr, $3  }
0x3a: {  	_ = 	snop  }
0x3b: {  	_ = 	snop  }
0x3c: {  	p2 =	seq.s32 s10, $0x1;
	s10 =	sld [smem:$0x3FB1]  }
0x3d: {  	_ =	shalt  }
0x3e: {  	_ =	shalt  }
0x3f: {  	_ =	shalt  }
0x40: {  	_ =	shalt  }
0x41: {  	_ =	shalt  }
0x42: {  	_ =	shalt  }
0x43: {  	_ =	shalt  }
0x44: {  	_ =	shalt  }
0x45: {  	_ =	shalt  }
0x46: {  	_ =	shalt  }
0x47: {  	_ =	shalt  }
0x48: {  	_ =	shalt  }
0x49: {  	_ =	shalt  }
0x4a: {  	_ =	shalt  }
0x4b: {  	_ =	shalt  }
0x4c: {  	_ =	shalt  }
0x4d: {  	_ =	shalt  }
0x4e: {  	_ =	shalt  }
0x4f: {  	_ =	shalt  }
0x50: {  	_ =	shalt  }
0x51: {  	_ =	shalt  }
0x52: {  	_ =	shalt  }
0x53: {  	_ =	shalt  }
0x54: {  	_ =	shalt  }
0x55: {  	_ =	shalt  }
0x56: {  	_ =	shalt  }
0x57: {  	_ =	shalt  }
0x58: {  	_ =	shalt  }
0x59: {  	_ =	shalt  }
0x5a: {  	_ =	shalt  }
0x5b: {  	_ =	shalt  }
0x5c: {  	_ =	shalt  }
0x5d: {  	_ =	shalt  }
0x5e: {  	_ =	shalt  }
0x5f: {  	_ =	shalt  }
0x60: {  	_ =	shalt  }
0x61: {  	_ =	shalt  }
0x62: {  	_ =	shalt  }
0x63: {  	_ =	shalt  }
0x64: {  	_ =	shalt  }
0x65: {  	_ =	shalt  }
0x66: {  	_ =	shalt  }
0x67: {  	_ =	shalt  }
0x68: {  	_ =	shalt  }
0x69: {  	_ =	shalt  }
0x6a: {  	_ =	shalt  }
0x6b: {  	_ =	shalt  }
0x6c: {  	_ =	shalt  }
0x6d: {  	_ =	shalt  }
0x6e: {  	_ =	shalt  }
0x6f: {  	_ =	shalt  }
0x70: {  	_ =	shalt  }
0x71: {  	_ =	shalt  }
0x72: {  	_ =	shalt  }
0x73: {  	_ =	shalt  }
0x74: {  	_ =	shalt  }
0x75: {  	_ =	shalt  }
0x76: {  	_ =	shalt  }
0x77: {  	_ =	shalt  }
0x78: {  	_ =	shalt  }
0x79: {  	_ =	shalt  }
0x7a: {  	_ =	shalt  }
0x7b: {  	_ =	shalt  }
0x7c: {  	_ =	shalt  }
0x7d: {  	_ =	shalt  }
0x7e: {  	_ =	shalt  }
0x7f: {  	_ =	shalt  }
0x80: {  	_ =	shalt  }
0x81: {  	_ =	shalt  }
0x82: {  	_ =	shalt  }
0x83: {  	_ =	shalt  }
0x84: {  	_ =	shalt  }
0x85: {  	_ =	shalt  }
0x86: {  	_ =	shalt  }
0x87: {  	_ =	shalt  }
.Lfunc_end0:
.L_simem_size_0:
called_computation_lowered:
.L_overlay_start_0:
0x88: {  	s2 =	sld [smem:$0x3FD9]  }
0x89: {  	s3 =	sld [smem:$0x3FFE];
	_ =	sdelay $0x1  }
0x8a: {  	s1 =	srdreg.scid  }
0x8b: {  	s0 =	sand.u32 $0x1, s1  }
0x8c: {  	s16 =	sshll.u32 s0, $0xA;
	s2 =	sadd.s32 s3, s2  }
0x8d: {  	s2 =	sadd.s32 s2, s16  }
0x8e: {  	[smem:$0x3FBD] =	sst s2  }
0x8f: {  	_ = 	snop  }
0x90: {  	(tm) =	ssettm $0x1  }
0x91: {  	s17 =	sld [smem:$0x3FFB];
	_ =	sdelay $0x3  }
0x92: {  	_ =	strace s17  }
0x93: {  	s2 =	sld [smem:$0x3FFC];
	_ =	sdelay $0x3  }
0x94: {  	_ =	strace s2  }
0x95: {  	s2 =	sld [smem:$0x3FFD];
	_ =	sdelay $0x3  }
0x96: {  	_ =	strace s2  }
0x97: {  	_ =	strace $0x8FFFFFFF  }
0x98: {  	s18 =	sld [smem:$0x3FDB];
	_ =	sdelay $0x1  }
0x99: {  	s19 =	simm.s32 $_scs_section_size  }
0x9a: {  	s4 =	simm.s32 $_size__tile_overlayer_lowered;
	s5 =	simm.s32 $_tile_overlayer_lowered  }
0x9b: {  	s22 =	simm.s32 $0x1BFF;
	s21 =	sshll.u32 s5, $0x1;
	s2 =	sadd.s32 s19, s18  }
0x9c: {  	s6 =	simm.s32 $0x0;
	s20 =	sshll.u32 s4, $0x1;
	s4 =	sadd.s32 s21, s2  }
0x9d: {  	[timem:s6], [sflag:s22] =	dma.local [hbm:s4], s20  }
0x9e: {  	_ =	swait.ge [sflag:s22], s20  }
0x9f: {  	s3 =	ssub.s32 $0x0, s20;
	[sflag:s22] =	ssyncset.done $0x0  }
0xa0: {  	[sflag:s22] =	ssyncadd.s32 s3;
	_ =	sdelay $0x1  }
0xa1: {  	s23 =	simm.s32 $0x1B8B  }
0xa2: {  	_ =	swait.ge [sflag:s23], $0x1  }
0xa3: {  	[sflag:s23] =	ssyncset.done $0x0  }
0xa4: {  	s25 =	simm.s32 $0x1B8E;
	s24 =	sld [smem:$0x3FFE];
	[sflag:s23] =	ssyncadd.s32 $0xFFFFFFFF  }
0xa5: {  	s26 =	simm.s32 $execute0_lowered;
	[smem:$0x3FD2] =	sst s25  }
0xa6: {  	s4 =	sshll.u32 s26, $0x1;
	_ =	strace $0x80000046;
	[dreg:$0x1] =	wrdreg $0xFFFFFFFF  }
0xa7: {  	s28 =	simm.s32 $_size_execute0_lowered;
	s2 =	sadd.s32 s2, s4;
	[dreg:$0x0] =	wrdreg $0x0  }
0xa8: {  	s4 =	sshll.u32 s28, $0x1;
	[dreg:$0x2] =	wrdreg s2  }
0xa9: {  	[dreg:$0x3] =	wrdreg s4  }
0xaa: {  	[dreg:$0x4] =	wrdreg $0xC0  }
0xab: {  	_ =	task [dreg:s6], $0x5FFFF  }
0xac: {  	[dreg:$0x1] =	wrdreg $0xFFFFFFFF  }
0xad: {  	[dreg:$0x0] =	wrdreg $0x60  }
0xae: {  	[dreg:$0x2] =	wrdreg s24  }
0xaf: {  	[dreg:$0x3] =	wrdreg $0x90000  }
0xb0: {  	[dreg:$0x4] =	wrdreg $0x9  }
0xb1: {  	_ =	task.clear_ibuf [dreg:s6], $0x5FFFF;
	_ =	strace $0x90000046  }
0xb2: {  	s29 =	simm.s32 $0x9;
	_ =	strace $0x80000048  }
0xb3: {  	_ =	swait.ge [sflag:s29], $0x1  }
0xb4: {  	[sflag:s29] =	ssyncadd.s32 $0xFFFFFFFF  }
0xb5: {  	_ =	strace $0x90000048  }
0xb6: {  	_ =	sfence  }
0xb7: {  	s30 =	sld [smem:$0x0];
	_ =	sdelay $0x2  }
0xb8: {  	s31 =	sshll.u32 s1, $0xD;
	s1 =	sshrl.u32 s1, $0x2  }
0xb9: {  	s3 =	sand.u32 $0x4000, s31;
	s1 =	sadd.s32 s1, s30  }
0xba: {  	s0 =	sor.u32 s3, s0;
	s1 =	sshll.u32 s1, $0x11  }
0xbb: {  	s0 =	sor.u32 s1, s0  }
0xbc: {  	s0 =	sadd.s32 $0x8F2B, s0  }
0xbd: {  	[sflag:s0] =	ssyncadd.remote.s32 $0x1  }
0xbe: {  	_ =	sfence.sel $0xFFFF  }
0xbf: {  	[dreg:$0x0] =	wrdreg $0xFFFFFFFF;
	(pc) =	sbr.abs _section_cstart, $3  }
0xc0: {  	[dreg:$0x1] =	wrdreg $0xFFFFFFFF  }
0xc1: {  	_ =	task.clear_ibuf [dreg:s6], $0x2FFFF;
	_ =	strace $0x9FFFFFFF  }
0xc2: {  	(tm) =	ssettm $0x7FFFFFFF  }
0xc3: {  	_ =	shalt  }
tec
execute0_lowered:
.L_overlay_start_1:
0x0: {  	(tag) =	ssettag $0x1  }
0x1: {  	s6 =	rddreg [dreg:$0x0]  }
0x2: {  	s2 =	rddreg [dreg:$0x1]  }
0x3: {  	s0 =	rddreg [dreg:$0x2]  }
0x4: {  	s4 =	srdreg.scid;
	s1 =	stileid.u32  }
0x5: {  	s3 =	simm.s32 $0x0;
	s14 =	simm.s32 $0x80;
	s5 =	smul.u32 $0x2800, s1  }
0x6: {  	s15 =	simm.s32 $0x5000;
	s16 =	simm.s32 $0x1;
	s9 =	smul.u32 $0x2780, s1  }
0x7: {  	s17 =	simm.s32 $0x0;
	s7 =	sand.u32 $0x1, s4;
	s12 =	smul.u32 $0x4F000, s1  }
0x8: {  	[smem:$0x7FF] =	sst s3;
	s4 =	sadd.s32 $0x11000, s6;
	s8 =	smul.u32 $0x28000, s7  }
0x9: {  	s31 =	sshll.u32 s1, $0x6;
	s10 =	smul.u32 $0x27800, s7;
	s7 =	ssub.s32 $0x2, s7  }
0xa: {  	_ =	strace $0x80000047;
	s28 =	sshrl.u32 s7, $0x1;
	s29 =	sshrl.u32 s12, $0x2  }
0xb: {  	s12 =	simm.s32 $0x2;
	s8 =	sadd.s32 s5, s8;
	s5 =	sshrl.u32 s5, $0x3  }
0xc: {  	s9 =	sadd.s32 s9, s10;
	s30 =	ssub.s32 s7, s28;
	s13 =	sadd.s32 s29, s2  }
0xd: {  	s8 =	sshrl.u32 s8, $0x3;
	s11 =	sadd.s32 s5, s6;
	s5 =	sadd.s32 $0x5F400, s6  }
0xe: {  	s9 =	sadd.s32 s9, s6;
	s10 =	smax.u32 s30, $0x1;
	s8 =	sadd.s32 s8, s6  }
0xf: {  	s6 =	sor.u32 $0x1C02, s31;
	s9 =	sadd.s32 $0x61C00, s9;
	s7 =	sadd.s32 $0x2000, s8  }
0x10: {  	s8 =	sadd.s32 $0xC000, s11;
	s11 =	sshrl.u32 s13, $0x3;
	s13 =	simm.s32 $0x2800  }
.LBB2_1:
0x11: {  	[spmem:s11], [sflag:s6] =	dma.local [hbm:s5], $0x2780  }
0x12: {  	_ =	swait.ge [sflag:s12], $0x2780  }
0x13: {  	[sflag:s12] =	ssyncset.done $0x0  }
0x14: {  	[sflag:s12] =	ssyncadd.s32 $0xFFFFD880  }
0x15: {  	[tilespmem:s3], [sflag:$0x2] =	stream.linear.gather [hbm4b:s7+s3], $0x2780, $0x38;
	[tilespmem:$0x1CC00] =	vst v63  }
0x16: {  	_ =	swait.ge [sflag:s12], $0x2780  }
0x17: {  	[sflag:s12] =	ssyncset.done $0x0  }
0x18: {  	[sflag:s12] =	ssyncadd.s32 $0xFFFFD880  }
0x19: {  	[tilespmem:s13], [sflag:$0x2] =	stream.linear.gather [hbm4b:s8+s3], $0x2780, $0x38;
	[tilespmem:$0x1CC00] =	vst v63  }
0x1a: {  	_ =	swait.ge [sflag:s12], $0x2780  }
0x1b: {  	[sflag:s12] =	ssyncset.done $0x0  }
0x1c: {  	[sflag:s12] =	ssyncadd.s32 $0xFFFFD880  }
0x1d: {  	s18 =	simm.s32 $0x0;
	[bflag:$0x0] =	sbarrier.arrive $0xFFFF  }
0x1e: {  	[tilespmem:s15], [sflag:$0x1] =	stream.indirect.gather [hbm4b:s4+s14], $0x80, s18, s14, $0xb8;
	[tilespmem:$0x1CC00] =	vst v63  }
0x1f: {  	_ =	swait.ge [sflag:s16], $0x4000  }
0x20: {  	[sflag:s16] =	ssyncset.done $0x0  }
0x21: {  	s31 =	simm.s32 $0x2800;
	[sflag:s16] =	ssyncadd.s32 $0xFFFFC000  }
0x22: {  	[spmem:s2] =	stream.indirect.scatter.add.f32 [tilespmem:s15], [sflag:$0x2], $0x80, s31, s14, $0xb8;
	[tilespmem:$0x1CC00] =	vst v63  }
0x23: {  	_ =	swait.ge [sflag:s12], $0x4000  }
0x24: {  	s19 =	simm.s32 $0x400;
	s18 =	simm.s32 $0x200;
	[sflag:s12] =	ssyncset.done $0x0  }
.LBB2_2:
0x25: {  	s20 =	sshra.s32 s18, $0x2  }
0x26: {  	[sflag:s12] =	ssyncadd.s32 $0xFFFFC000;
	s18 =	smov.u32 s19;
	s21 =	sadd.s32 $0x200, s19  }
0x27: {  	[tilespmem:s15], [sflag:$0x1] =	stream.indirect.gather [hbm4b:s4+s14], $0x80, s20, s14, $0xb8;
	[tilespmem:$0x1CC00] =	vst v63  }
0x28: {  	p0 =	sne.s32 s19, $0x9C00;
	_ =	swait.ge [sflag:s16], $0x4000  }
.Ltmp0:
0x29: {  	[sflag:s16] =	ssyncset.done $0x0;
	(pc) =	sbr.rel @p0 .LBB2_2-.Ltmp0, $4  }
0x2a: {  	s19 =	sadd.s32 $0x2800, s20;
	[sflag:s16] =	ssyncadd.s32 $0xFFFFC000  }
0x2b: {  	[spmem:s2] =	stream.indirect.scatter.add.f32 [tilespmem:s15], [sflag:$0x2], $0x80, s19, s14, $0xb8;
	[tilespmem:$0x1CC00] =	vst v63  }
0x2c: {  	_ =	swait.ge [sflag:s12], $0x4000  }
0x2d: {  	s19 =	smov.u32 s21;
	[sflag:s12] =	ssyncset.done $0x0  }
0x2e: {  	s18 =	sshra.s32 s18, $0x2;
	[sflag:s12] =	ssyncadd.s32 $0xFFFFC000  }
0x2f: {  	[tilespmem:s15], [sflag:$0x1] =	stream.indirect.gather [hbm4b:s4+s14], $0x80, s18, s14, $0xb8;
	[tilespmem:$0x1CC00] =	vst v63  }
0x30: {  	_ =	swait.ge [sflag:s16], $0x4000  }
0x31: {  	[sflag:s16] =	ssyncset.done $0x0  }
0x32: {  	s18 =	sadd.s32 $0x2800, s18;
	[sflag:s16] =	ssyncadd.s32 $0xFFFFC000  }
0x33: {  	[spmem:s2] =	stream.indirect.scatter.add.f32 [tilespmem:s15], [sflag:$0x2], $0x80, s18, s14, $0xb8;
	[tilespmem:$0x1CC00] =	vst v63  }
0x34: {  	_ =	swait.ge [sflag:s12], $0x4000  }
0x35: {  	s17 =	sadd.s32 $0x1, s17;
	[sflag:s12] =	ssyncset.done $0x0  }
0x36: {  	p0 =	sne.s32 s17, s10;
	[sflag:s12] =	ssyncadd.s32 $0xFFFFC000  }
.Ltmp1:
0x37: {  	[bflag:$0x0] =	sbarrier.arrive $0xFFFF;
	(pc) =	sbr.rel @p0 .LBB2_1-.Ltmp1, $4  }
0x38: {  	[hbm:s9], [sflag:s6] =	dma.local [spmem:s11], $0x2780  }
0x39: {  	_ =	swait.ge [sflag:s12], $0x2780  }
0x3a: {  	[sflag:s12] =	ssyncset.done $0x0  }
0x3b: {  	[sflag:s12] =	ssyncadd.s32 $0xFFFFD880  }
0x3c: {  	_ =	sfence.sel $0x180000  }
0x3d: {  	[bflag:$0x0] =	sbarrier.arrive $0xFFFF  }
0x3e: {  	p0 =	sne.s32 s1, $0x0;
	_ =	strace $0x90000047  }
0x3f: {  	s0 =	sadd.s32 @!p0 $0x100000, s0;
	[bflag:$0x2] =	sbarrier.arrive $0xFFFF  }
0x40: {  	[sflag:s0] =	ssyncadd.tile.s32 @!p0 $0x1;
	_ =	shalt  }
.Lfunc_end2:
_tile_overlayer_lowered:
.L_overlay_start_2:
0x41: {  	(tag) =	ssettag $0x2  }
0x42: {  	s0 =	rddreg [dreg:$0x0];
	s2 =	stileid.u32  }
0x43: {  	s1 =	rddreg [dreg:$0x1];
	p0 =	sne.s32 s2, $0x0  }
0x44: {  	s3 =	rddreg [dreg:$0x2];
	[bflag:$0x3] =	sbarrier.arrive $0xFFFF;
	s2 =	simm.s32 @!p0 $0x1C02  }
0x45: {  	[timem:s3], [sflag:s2] =	dma.local @!p0 [hbm:s0], s1  }
0x46: {  	s0 =	simm.s32 @!p0 $0x2  }
0x47: {  	_ =	swait.ge @!p0 [sflag:s0], s1  }
0x48: {  	s1 =	ssub.s32 @!p0 $0x0, s1;
	[sflag:s0] =	ssyncset.done @!p0 $0x0  }
0x49: {  	[sflag:s0] =	ssyncadd.s32 @!p0 s1  }
0x4a: {  	[bflag:$0x3] =	sbarrier.arrive $0xFFFF  }
0x4b: {  	_ =	shalt  }

</sc_bundles>
